<compile_context>
chip_gen: v7x
topology: tpu7x:2x2x1
jax: 0.10.2.dev20260603
libtpu: 0.0.44.dev20260713+nightly
codegen_flags: <defaults>
</compile_context>

<pallas_src>
import functools

import jax
import jax.numpy as jnp
from jax.experimental import pallas as pl
from jax.experimental.pallas import tpu as pltpu
from jax.experimental.pallas import tpu_sc as plsc

B = 1024
D = 64
K = 8192

KB1 = 2048
NK1 = K // KB1
C = 8
HB = 1024
IMAX = 2 ** 31 - 1

GB = C * B
SC_NC = 2
SC_NS = 16
SC_NW = SC_NC * SC_NS
BPW = GB // SC_NW


def _seq_butterfly(sq_rows):
    acc = None
    for j in range(8):
        x = sq_rows[8 * j:8 * j + 8]
        a = (x[0] + x[4]) + (x[2] + x[6])
        b = (x[1] + x[5]) + (x[3] + x[7])
        c = a + b
        acc = c if acc is None else acc + c
    return acc


def _merge2(x1, x2, y1, y2):
    lo = jnp.minimum(x1, y1)
    hi = jnp.minimum(jnp.maximum(x1, y1), jnp.minimum(x2, y2))
    return lo, hi


def _cand_kernel(z_ref, et_ref, cand_ref, m1_scr, m2_scr):
    ki = pl.program_id(0)
    et = et_ref[:]
    etb = et.astype(jnp.bfloat16)
    zb = z_ref[:].astype(jnp.bfloat16)
    g = jax.lax.dot(zb, etb,
                    preferred_element_type=jnp.float32)
    e2 = jnp.sum(et * et, axis=0, keepdims=True)
    s = e2 - (g + g)
    i = jax.lax.bitcast_convert_type(s, jnp.int32)
    key = jnp.where(i >= 0, i, i ^ jnp.int32(0x7FFFFFFF))
    kids = jax.lax.broadcasted_iota(jnp.int32, (1, KB1), 1) + ki * KB1
    key = (key & jnp.int32(-8192)) | kids

    w = KB1
    t1 = key
    t2 = None
    while w > 128:
        h = w // 2
        x, y = t1[:, 0:h], t1[:, h:w]
        if t2 is None:
            t1, t2 = jnp.minimum(x, y), jnp.maximum(x, y)
        else:
            t1, t2 = _merge2(x, t2[:, 0:h], y, t2[:, h:w])
        w = h
    n1, n2 = t1, t2

    @pl.when(ki == 0)
    def _first():
        m1_scr[:] = n1
        m2_scr[:] = n2

    @pl.when(ki > 0)
    def _rest():
        u1, u2 = _merge2(m1_scr[:], m2_scr[:], n1, n2)
        m1_scr[:] = u1
        m2_scr[:] = u2

    @pl.when(ki == NK1 - 1)
    def _extract():
        pool = jnp.concatenate([m1_scr[:], m2_scr[:]], axis=1)
        cands = []
        for _ in range(C):
            m = jnp.min(pool, axis=1, keepdims=True)
            cands.append(m)
            pool = jnp.where(pool == m, IMAX, pool)
        ck = jnp.concatenate(cands, axis=1)
        cand_ref[:] = ck & jnp.int32(0x1FFF)


def _sc_gather(table_hbm, idx_hbm, out_hbm, idx_v, rows_v, sem):
    wid = jax.lax.axis_index("s") * SC_NC + jax.lax.axis_index("c")
    base = wid * BPW
    pltpu.sync_copy(idx_hbm.at[pl.ds(base, BPW)], idx_v)
    pltpu.async_copy(table_hbm.at[idx_v], rows_v, sem).wait()
    pltpu.sync_copy(rows_v, out_hbm.at[pl.ds(base, BPW)])


def _exact_kernel(g_ref, z_ref, cand_ref,
                  idx_ref, zq_ref, commit_ref, perp_ref, d8_scr):
    z = z_ref[:]
    zt = z.T
    cand = cand_ref[:]
    gcs = []
    for c in range(C):
        gf = g_ref[pl.ds(c * B, B), :]
        odd = (cand[:, c:c + 1] & 1) == 1
        gc = jnp.where(odd, gf[:, D:2 * D], gf[:, 0:D])
        gcs.append(gc)
    for c in range(C):
        gc = gcs[c]
        gct = gc.T
        diff = zt - gct
        sq = diff * diff
        rows = [sq[d:d + 1, :] for d in range(D)]
        d8_scr[pl.ds(c, 1), :] = _seq_butterfly(rows)

    dt = d8_scr[:].T
    dmin = jnp.min(dt, axis=1, keepdims=True)
    win = jnp.min(jnp.where(dt == dmin, cand, IMAX), axis=1, keepdims=True)
    idx_ref[:] = win

    q = jnp.zeros((B, D), jnp.float32)
    for c in range(C):
        mask = win == cand[:, c:c + 1]
        q = q + jnp.where(mask, gcs[c], 0.0)
    zq_ref[:] = z + (q - z)
    commit_ref[:] = (0.25 / (B * D)) * jnp.sum(
        (z - q) ** 2, keepdims=True).reshape(1, 1)

    h = jnp.zeros((1, 1), jnp.float32)
    for j in range(K // HB):
        kids = jax.lax.broadcasted_iota(jnp.int32, (1, HB), 1) + j * HB
        oh = (win == kids).astype(jnp.float32)
        counts = jnp.sum(oh, axis=0, keepdims=True)
        p = counts * (1.0 / B)
        h = h + jnp.sum(p * jnp.log(p + 1e-10), keepdims=True).reshape(1, 1)
    perp_ref[:] = jnp.exp(-h)


@functools.partial(jax.jit, static_argnames=())
def kernel(z, embedding):
    emb = embedding.reshape(K, D)
    emb_t = emb.T

    cand = pl.pallas_call(
        _cand_kernel,
        grid=(NK1,),
        in_specs=[
            pl.BlockSpec((B, D), lambda ki: (0, 0)),
            pl.BlockSpec((D, KB1), lambda ki: (0, ki)),
        ],
        out_specs=pl.BlockSpec((B, C), lambda ki: (0, 0)),
        out_shape=jax.ShapeDtypeStruct((B, C), jnp.int32),
        scratch_shapes=[pltpu.VMEM((B, 128), jnp.int32),
                        pltpu.VMEM((B, 128), jnp.int32)],
        compiler_params=pltpu.CompilerParams(
            dimension_semantics=("arbitrary",)),
    )(z, emb_t)

    gidx = cand.T.reshape(GB) >> 1
    emb2 = emb.reshape(K // 2, 2 * D)
    g = pl.kernel(
        _sc_gather,
        out_type=jax.ShapeDtypeStruct((GB, 2 * D), jnp.float32),
        mesh=plsc.VectorSubcoreMesh(core_axis_name="c", subcore_axis_name="s"),
        scratch_types=[
            pltpu.VMEM((BPW,), jnp.int32),
            pltpu.VMEM((BPW, 2 * D), jnp.float32),
            pltpu.SemaphoreType.DMA,
        ],
    )(emb2, gidx)

    idx, zq, commit, perp = pl.pallas_call(
        _exact_kernel,
        in_specs=[
            pl.BlockSpec((GB, 2 * D), lambda: (0, 0)),
            pl.BlockSpec((B, D), lambda: (0, 0)),
            pl.BlockSpec((B, C), lambda: (0, 0)),
        ],
        out_specs=[
            pl.BlockSpec((B, 1), lambda: (0, 0)),
            pl.BlockSpec((B, D), lambda: (0, 0)),
            pl.BlockSpec((1, 1), lambda: (0, 0)),
            pl.BlockSpec((1, 1), lambda: (0, 0)),
        ],
        out_shape=[
            jax.ShapeDtypeStruct((B, 1), jnp.int32),
            jax.ShapeDtypeStruct((B, D), jnp.float32),
            jax.ShapeDtypeStruct((1, 1), jnp.float32),
            jax.ShapeDtypeStruct((1, 1), jnp.float32),
        ],
        scratch_shapes=[
            pltpu.VMEM((C, B), jnp.float32),
        ],
    )(g, z, cand)

    commitment_loss = commit.reshape(())
    codebook_loss = jnp.zeros((), jnp.float32)
    perplexity = perp.reshape(())
    return zq, idx, commitment_loss, codebook_loss, perplexity

# --- scband reference (transcript-rebuilt; emitter-appended) ---
"""Pipeline reference for scband-vqcodebook-7490422964649 (READ-ONLY COPY).

The authoritative reference and input builder live on the scoring server;
editing this copy changes nothing except your own understanding.
"""

import jax, jax.numpy as jnp
import numpy as np

D_LATENT = 64
CODEBOOK_SIZE = 8192
NUM_CODEBOOKS = 1
COMMITMENT_COST = 0.25


def setup_inputs(seed: int = 0) -> dict:
    key = jax.random.key(seed)
    k_z, k_emb = jax.random.split(key)
    z = jax.random.normal(k_z, (1024, D_LATENT), dtype=jnp.float32)
    d_sub = D_LATENT // NUM_CODEBOOKS
    # matches nn.init.uniform_(embedding, -1/codebook_size, 1/codebook_size)
    embedding = jax.random.uniform(
        k_emb, (NUM_CODEBOOKS, CODEBOOK_SIZE, d_sub), dtype=jnp.float32,
        minval=-1.0 / CODEBOOK_SIZE, maxval=1.0 / CODEBOOK_SIZE)
    return {"z": z, "embedding": embedding}


def reference(z, embedding):
    batch_size = z.shape[0]
    num_cb, K, d_sub = embedding.shape
    z_split = z.reshape(batch_size, num_cb, d_sub)
    # _compute_distances: broadcast squared euclidean distance
    z_expanded = z_split[:, :, None, :]              # [B, ncb, 1, d]
    emb_expanded = embedding[None, :, :, :]          # [1, ncb, K, d]
    distances = jnp.sum((z_expanded - emb_expanded) ** 2, axis=-1)  # [B, ncb, K]
    indices = jnp.argmin(distances, axis=-1)         # [B, ncb]
    # _get_quantized
    quantized = jnp.stack(
        [embedding[i][indices[:, i]] for i in range(num_cb)], axis=1)  # [B, ncb, d]
    commitment_loss = jnp.mean((z_split - jax.lax.stop_gradient(quantized)) ** 2)
    # use_ema=True -> codebook_loss = 0 (EMA update only happens in training)
    codebook_loss = jnp.asarray(0.0, dtype=jnp.float32)
    # straight-through estimator
    z_quantized = z_split + jax.lax.stop_gradient(quantized - z_split)
    z_quantized = z_quantized.reshape(batch_size, num_cb * d_sub)
    # _compute_perplexity
    avg_probs_list = []
    for i in range(num_cb):
        one_hot = jax.nn.one_hot(indices[:, i], K, dtype=jnp.float32)
        avg_probs_list.append(one_hot.mean(axis=0))
    avg_probs = jnp.stack(avg_probs_list).mean(axis=0)
    perplexity = jnp.exp(-jnp.sum(avg_probs * jnp.log(avg_probs + 1e-10)))
    return (z_quantized, indices, COMMITMENT_COST * commitment_loss,
            codebook_loss, perplexity)

if __name__ == "__main__":
    import jax
    _d = setup_inputs()
    print(jax.jit(kernel)(*tuple(_d.values())))

</pallas_src>

<mosaic_0001>
#map = affine_map<(d0, d1) -> (0, 0)>
#map1 = affine_map<(d0, d1) -> (0)>
module attributes {stable_mosaic.version = 14 : i64} {
  func.func @_sc_gather(%arg0: i32, %arg1: i32, %arg2: memref<4096x128xf32, #tpu.memory_space<hbm>>, %arg3: memref<8192xi32, #tpu.memory_space<hbm>>, %arg4: memref<8192x128xf32, #tpu.memory_space<hbm>>, %arg5: memref<256xi32, #tpu.memory_space<vmem>>, %arg6: memref<256x128xf32, #tpu.memory_space<vmem>>, %arg7: memref<!tpu.dma_semaphore, #tpu.memory_space<semaphore_mem>>) attributes {dimension_semantics = [#tpu.dimension_semantics<core_parallel>, #tpu.dimension_semantics<subcore_parallel>], iteration_bounds = array<i64: 2, 16>, scalar_prefetch = 0 : i64, scratch_operands = 3 : i64, tpu.core_type = #tpu.core_type<sc_vector_subcore>, window_params = [{transform_indices = #map}, {transform_indices = #map1}, {transform_indices = #map}]} {
    %mul3A = arith.constant 2 : i32
    %mul3A_0 = arith.muli %arg1, %mul3A : i32
    %add3A = arith.addi %mul3A_0, %arg0 : i32
    %mul3A_1 = arith.constant 256 : i32
    %mul3A_2 = arith.muli %add3A, %mul3A_1 : i32
    "tpu.region"() ({
      %run_scoped3A = tpu.sem_alloc : memref<!tpu.dma_semaphore, #tpu.memory_space<semaphore_mem>>
      %dma_start3A_7 = tpu.memref_slice %arg3[%mul3A_2] : memref<8192xi32, #tpu.memory_space<hbm>> -> memref<256xi32, #tpu.memory_space<hbm>>
      %dma_start3A_8 = tpu.memref_slice %arg3[%mul3A_2] : memref<8192xi32, #tpu.memory_space<hbm>> -> memref<256xi32, #tpu.memory_space<hbm>>
      tpu.enqueue_dma source(%dma_start3A_8 : memref<256xi32, #tpu.memory_space<hbm>>) target(%arg5 : memref<256xi32, #tpu.memory_space<vmem>>) target_semaphore(%run_scoped3A : memref<!tpu.dma_semaphore, #tpu.memory_space<semaphore_mem>>)
      %dma_wait3A_9 = tpu.memref_slice %arg3[%mul3A_2] : memref<8192xi32, #tpu.memory_space<hbm>> -> memref<256xi32, #tpu.memory_space<hbm>>
      %dma_wait3A_10 = tpu.memref_slice %arg3[%mul3A_2] : memref<8192xi32, #tpu.memory_space<hbm>> -> memref<256xi32, #tpu.memory_space<hbm>>
      tpu.wait_dma2 semaphore(%run_scoped3A : memref<!tpu.dma_semaphore, #tpu.memory_space<semaphore_mem>>) src(%dma_wait3A_10 : memref<256xi32, #tpu.memory_space<hbm>>) dst(%arg5 : memref<256xi32, #tpu.memory_space<vmem>>)
      tpu.yield
    }) : () -> ()
    %dma_start3A = arith.constant 0 : i32
    %dma_start3A_3 = arith.constant 0 : i32
    %dma_start3A_4 = tpu.memref_slice %arg2[%dma_start3A, %dma_start3A_3] : memref<4096x128xf32, #tpu.memory_space<hbm>> -> memref<4096x128xf32, #tpu.memory_space<hbm>>
    tpu.enqueue_indirect_dma source(%dma_start3A_4 : memref<4096x128xf32, #tpu.memory_space<hbm>>) target(%arg6 : memref<256x128xf32, #tpu.memory_space<vmem>>) offsets(%arg5 : memref<256xi32, #tpu.memory_space<vmem>>) semaphore(%arg7 : memref<!tpu.dma_semaphore, #tpu.memory_space<semaphore_mem>>)
    %dma_wait3A = arith.constant 0 : i32
    %dma_wait3A_5 = arith.constant 0 : i32
    %dma_wait3A_6 = tpu.memref_slice %arg2[%dma_wait3A, %dma_wait3A_5] : memref<4096x128xf32, #tpu.memory_space<hbm>> -> memref<4096x128xf32, #tpu.memory_space<hbm>>
    tpu.wait_indirect_dma semaphore(%arg7 : memref<!tpu.dma_semaphore, #tpu.memory_space<semaphore_mem>>) src(%dma_wait3A_6 : memref<4096x128xf32, #tpu.memory_space<hbm>>) dst(%arg6 : memref<256x128xf32, #tpu.memory_space<vmem>>)
    "tpu.region"() ({
      %run_scoped3A = tpu.sem_alloc : memref<!tpu.dma_semaphore, #tpu.memory_space<semaphore_mem>>
      %dma_start3A_7 = arith.constant 0 : i32
      %dma_start3A_8 = tpu.memref_slice %arg4[%mul3A_2, %dma_start3A_7] : memref<8192x128xf32, #tpu.memory_space<hbm>> -> memref<256x128xf32, #tpu.memory_space<hbm>>
      %dma_start3A_9 = arith.constant 0 : i32
      %dma_start3A_10 = tpu.memref_slice %arg4[%mul3A_2, %dma_start3A_9] : memref<8192x128xf32, #tpu.memory_space<hbm>> -> memref<256x128xf32, #tpu.memory_space<hbm>>
      tpu.enqueue_dma source(%arg6 : memref<256x128xf32, #tpu.memory_space<vmem>>) target(%dma_start3A_10 : memref<256x128xf32, #tpu.memory_space<hbm>>) target_semaphore(%run_scoped3A : memref<!tpu.dma_semaphore, #tpu.memory_space<semaphore_mem>>)
      %dma_wait3A_11 = arith.constant 0 : i32
      %dma_wait3A_12 = tpu.memref_slice %arg4[%mul3A_2, %dma_wait3A_11] : memref<8192x128xf32, #tpu.memory_space<hbm>> -> memref<256x128xf32, #tpu.memory_space<hbm>>
      %dma_wait3A_13 = arith.constant 0 : i32
      %dma_wait3A_14 = tpu.memref_slice %arg4[%mul3A_2, %dma_wait3A_13] : memref<8192x128xf32, #tpu.memory_space<hbm>> -> memref<256x128xf32, #tpu.memory_space<hbm>>
      tpu.wait_dma2 semaphore(%run_scoped3A : memref<!tpu.dma_semaphore, #tpu.memory_space<semaphore_mem>>) src(%arg6 : memref<256x128xf32, #tpu.memory_space<vmem>>) dst(%dma_wait3A_14 : memref<256x128xf32, #tpu.memory_space<hbm>>)
      tpu.yield
    }) : () -> ()
    return
  }
}

module attributes {stable_mosaic.version = 14 : i64} {
  func.func @_cand_kernel(%arg0: i32, %arg1: memref<1024x64xf32, #tpu.memory_space<vmem>>, %arg2: memref<64x2048xf32, #tpu.memory_space<vmem>>, %arg3: memref<1024x8xi32, #tpu.memory_space<vmem>>, %arg4: memref<1024x128xi32, #tpu.memory_space<vmem>>, %arg5: memref<1024x128xi32, #tpu.memory_space<vmem>>) attributes {dimension_semantics = [#tpu.dimension_semantics<arbitrary>], iteration_bounds = array<i64: 4>, scalar_prefetch = 0 : i64, scratch_operands = 2 : i64, tpu.core_type = #tpu.core_type<tc>, window_params = [{pipeline_mode = #tpu.pipeline_mode<synchronous>, transform_indices = @transform_0, window_bounds = array<i64: 1024, 64>}, {transform_indices = @transform_1, window_bounds = array<i64: 64, 2048>}, {pipeline_mode = #tpu.pipeline_mode<synchronous>, transform_indices = @transform_2, window_bounds = array<i64: 1024, 8>}]} {
    %get3A = arith.constant 0 : index
    %get3A_0 = arith.constant 0 : index
    %get3A_1 = vector.load %arg2[%get3A, %get3A_0] : memref<64x2048xf32, #tpu.memory_space<vmem>>, vector<64x2048xf32>
    %convert_element_type3A = arith.truncf %get3A_1 : vector<64x2048xf32> to vector<64x2048xbf16>
    %get3A_2 = arith.constant 0 : index
    %get3A_3 = arith.constant 0 : index
    %get3A_4 = vector.load %arg1[%get3A_2, %get3A_3] : memref<1024x64xf32, #tpu.memory_space<vmem>>, vector<1024x64xf32>
    %convert_element_type3A_5 = arith.truncf %get3A_4 : vector<1024x64xf32> to vector<1024x64xbf16>
    %dot_general3A = arith.constant dense<0.000000e+00> : vector<1024x2048xf32>
    %dot_general3A_6 = tpu.matmul %convert_element_type3A_5, %convert_element_type3A, %dot_general3A {dimension_numbers = #tpu.dot_dimension_numbers<[1], [0], [0], [1], [0, 0, 1, 1], [], []>, transpose_lhs_hint = false} : vector<1024x64xbf16>, vector<64x2048xbf16>, vector<1024x2048xf32> -> vector<1024x2048xf32>
    %mul3A = arith.mulf %get3A_1, %get3A_1 : vector<64x2048xf32>
    %reduce_sum3A = arith.constant dense<0.000000e+00> : vector<2048xf32>
    %reduce_sum3A_7 = vector.multi_reduction <add>, %mul3A, %reduce_sum3A [0] : vector<64x2048xf32> to vector<2048xf32>
    %broadcast_in_dim3A = vector.shape_cast %reduce_sum3A_7 : vector<2048xf32> to vector<1x2048xf32>
    %add3A = arith.addf %dot_general3A_6, %dot_general3A_6 : vector<1024x2048xf32>
    %sub3A = vector.broadcast %broadcast_in_dim3A : vector<1x2048xf32> to vector<1024x2048xf32>
    %sub3A_8 = arith.subf %sub3A, %add3A : vector<1024x2048xf32>
    %bitcast_convert_type3A = tpu.bitcast %sub3A_8 : vector<1024x2048xf32> -> vector<1024x2048xi32>
    %ge3A = arith.constant 0 : i32
    %ge3A_9 = vector.broadcast %ge3A : i32 to vector<1024x2048xi32>
    %ge3A_10 = arith.cmpi sge, %bitcast_convert_type3A, %ge3A_9 : vector<1024x2048xi32>
    %xor3A = arith.constant 2147483647 : i32
    %xor3A_11 = vector.broadcast %xor3A : i32 to vector<1024x2048xi32>
    %xor3A_12 = arith.xori %bitcast_convert_type3A, %xor3A_11 : vector<1024x2048xi32>
    %select_n3A = arith.select %ge3A_10, %bitcast_convert_type3A, %xor3A_12 : vector<1024x2048xi1>, vector<1024x2048xi32>
    %iota3A = tpu.iota {dimensions = array<i32: 1>} : vector<1x2048xi32>
    %mul3A_13 = arith.constant 2048 : i32
    %mul3A_14 = arith.muli %arg0, %mul3A_13 : i32
    %add3A_15 = vector.broadcast %mul3A_14 : i32 to vector<1x2048xi32>
    %add3A_16 = arith.addi %iota3A, %add3A_15 : vector<1x2048xi32>
    %and3A = arith.constant -8192 : i32
    %and3A_17 = vector.broadcast %and3A : i32 to vector<1024x2048xi32>
    %and3A_18 = arith.andi %select_n3A, %and3A_17 : vector<1024x2048xi32>
    %or3A = vector.broadcast %add3A_16 : vector<1x2048xi32> to vector<1024x2048xi32>
    %or3A_19 = arith.ori %and3A_18, %or3A : vector<1024x2048xi32>
    %slice3A = vector.extract_strided_slice %or3A_19 {offsets = [0, 0], sizes = [1024, 1024], strides = [1, 1]} : vector<1024x2048xi32> to vector<1024x1024xi32>
    %slice3A_20 = vector.extract_strided_slice %or3A_19 {offsets = [0, 1024], sizes = [1024, 1024], strides = [1, 1]} : vector<1024x2048xi32> to vector<1024x1024xi32>
    %min3A = arith.minsi %slice3A, %slice3A_20 : vector<1024x1024xi32>
    %max3A = arith.maxsi %slice3A, %slice3A_20 : vector<1024x1024xi32>
    %slice3A_21 = vector.extract_strided_slice %min3A {offsets = [0, 0], sizes = [1024, 512], strides = [1, 1]} : vector<1024x1024xi32> to vector<1024x512xi32>
    %slice3A_22 = vector.extract_strided_slice %min3A {offsets = [0, 512], sizes = [1024, 512], strides = [1, 1]} : vector<1024x1024xi32> to vector<1024x512xi32>
    %slice3A_23 = vector.extract_strided_slice %max3A {offsets = [0, 0], sizes = [1024, 512], strides = [1, 1]} : vector<1024x1024xi32> to vector<1024x512xi32>
    %slice3A_24 = vector.extract_strided_slice %max3A {offsets = [0, 512], sizes = [1024, 512], strides = [1, 1]} : vector<1024x1024xi32> to vector<1024x512xi32>
    %min3A_25 = arith.minsi %slice3A_21, %slice3A_22 : vector<1024x512xi32>
    %max3A_26 = arith.maxsi %slice3A_21, %slice3A_22 : vector<1024x512xi32>
    %min3A_27 = arith.minsi %slice3A_23, %slice3A_24 : vector<1024x512xi32>
    %min3A_28 = arith.minsi %max3A_26, %min3A_27 : vector<1024x512xi32>
    %slice3A_29 = vector.extract_strided_slice %min3A_25 {offsets = [0, 0], sizes = [1024, 256], strides = [1, 1]} : vector<1024x512xi32> to vector<1024x256xi32>
    %slice3A_30 = vector.extract_strided_slice %min3A_25 {offsets = [0, 256], sizes = [1024, 256], strides = [1, 1]} : vector<1024x512xi32> to vector<1024x256xi32>
    %slice3A_31 = vector.extract_strided_slice %min3A_28 {offsets = [0, 0], sizes = [1024, 256], strides = [1, 1]} : vector<1024x512xi32> to vector<1024x256xi32>
    %slice3A_32 = vector.extract_strided_slice %min3A_28 {offsets = [0, 256], sizes = [1024, 256], strides = [1, 1]} : vector<1024x512xi32> to vector<1024x256xi32>
    %min3A_33 = arith.minsi %slice3A_29, %slice3A_30 : vector<1024x256xi32>
    %max3A_34 = arith.maxsi %slice3A_29, %slice3A_30 : vector<1024x256xi32>
    %min3A_35 = arith.minsi %slice3A_31, %slice3A_32 : vector<1024x256xi32>
    %min3A_36 = arith.minsi %max3A_34, %min3A_35 : vector<1024x256xi32>
    %slice3A_37 = vector.extract_strided_slice %min3A_33 {offsets = [0, 0], sizes = [1024, 128], strides = [1, 1]} : vector<1024x256xi32> to vector<1024x128xi32>
    %slice3A_38 = vector.extract_strided_slice %min3A_33 {offsets = [0, 128], sizes = [1024, 128], strides = [1, 1]} : vector<1024x256xi32> to vector<1024x128xi32>
    %slice3A_39 = vector.extract_strided_slice %min3A_36 {offsets = [0, 0], sizes = [1024, 128], strides = [1, 1]} : vector<1024x256xi32> to vector<1024x128xi32>
    %slice3A_40 = vector.extract_strided_slice %min3A_36 {offsets = [0, 128], sizes = [1024, 128], strides = [1, 1]} : vector<1024x256xi32> to vector<1024x128xi32>
    %min3A_41 = arith.minsi %slice3A_37, %slice3A_38 : vector<1024x128xi32>
    %max3A_42 = arith.maxsi %slice3A_37, %slice3A_38 : vector<1024x128xi32>
    %min3A_43 = arith.minsi %slice3A_39, %slice3A_40 : vector<1024x128xi32>
    %min3A_44 = arith.minsi %max3A_42, %min3A_43 : vector<1024x128xi32>
    %eq3A = arith.constant 0 : i32
    %eq3A_45 = arith.cmpi eq, %arg0, %eq3A : i32
    %convert_element_type3A_46 = arith.extui %eq3A_45 : i1 to i32
    %cond3A = arith.constant 0 : i32
    %cond3A_47 = arith.cmpi ne, %convert_element_type3A_46, %cond3A : i32
    scf.if %cond3A_47 {
      %swap3A = arith.constant 0 : index
      %swap3A_57 = arith.constant 0 : index
      %swap3A_58 = vector.load %arg4[%swap3A, %swap3A_57] : memref<1024x128xi32, #tpu.memory_space<vmem>>, vector<1024x128xi32>
      tpu.vector_store %arg4[%swap3A, %swap3A_57], %min3A_41 {strides = array<i32>} : memref<1024x128xi32, #tpu.memory_space<vmem>>, vector<1024x128xi32>,
      %swap3A_59 = arith.constant 0 : index
      %swap3A_60 = arith.constant 0 : index
      %swap3A_61 = vector.load %arg5[%swap3A_59, %swap3A_60] : memref<1024x128xi32, #tpu.memory_space<vmem>>, vector<1024x128xi32>
      tpu.vector_store %arg5[%swap3A_59, %swap3A_60], %min3A_44 {strides = array<i32>} : memref<1024x128xi32, #tpu.memory_space<vmem>>, vector<1024x128xi32>,
    } else {
    }
    %gt3A = arith.constant 0 : i32
    %gt3A_48 = arith.cmpi sgt, %arg0, %gt3A : i32
    %convert_element_type3A_49 = arith.extui %gt3A_48 : i1 to i32
    %cond3A_50 = arith.constant 0 : i32
    %cond3A_51 = arith.cmpi ne, %convert_element_type3A_49, %cond3A_50 : i32
    scf.if %cond3A_51 {
      %get3A_57 = arith.constant 0 : index
      %get3A_58 = arith.constant 0 : index
      %get3A_59 = vector.load %arg4[%get3A_57, %get3A_58] : memref<1024x128xi32, #tpu.memory_space<vmem>>, vector<1024x128xi32>
      %get3A_60 = arith.constant 0 : index
      %get3A_61 = arith.constant 0 : index
      %get3A_62 = vector.load %arg5[%get3A_60, %get3A_61] : memref<1024x128xi32, #tpu.memory_space<vmem>>, vector<1024x128xi32>
      %min3A_63 = arith.minsi %get3A_59, %min3A_41 : vector<1024x128xi32>
      %max3A_64 = arith.maxsi %get3A_59, %min3A_41 : vector<1024x128xi32>
      %min3A_65 = arith.minsi %get3A_62, %min3A_44 : vector<1024x128xi32>
      %min3A_66 = arith.minsi %max3A_64, %min3A_65 : vector<1024x128xi32>
      %swap3A = arith.constant 0 : index
      %swap3A_67 = arith.constant 0 : index
      %swap3A_68 = vector.load %arg4[%swap3A, %swap3A_67] : memref<1024x128xi32, #tpu.memory_space<vmem>>, vector<1024x128xi32>
      tpu.vector_store %arg4[%swap3A, %swap3A_67], %min3A_63 {strides = array<i32>} : memref<1024x128xi32, #tpu.memory_space<vmem>>, vector<1024x128xi32>,
      %swap3A_69 = arith.constant 0 : index
      %swap3A_70 = arith.constant 0 : index
      %swap3A_71 = vector.load %arg5[%swap3A_69, %swap3A_70] : memref<1024x128xi32, #tpu.memory_space<vmem>>, vector<1024x128xi32>
      tpu.vector_store %arg5[%swap3A_69, %swap3A_70], %min3A_66 {strides = array<i32>} : memref<1024x128xi32, #tpu.memory_space<vmem>>, vector<1024x128xi32>,
    } else {
    }
    %eq3A_52 = arith.constant 3 : i32
    %eq3A_53 = arith.cmpi eq, %arg0, %eq3A_52 : i32
    %convert_element_type3A_54 = arith.extui %eq3A_53 : i1 to i32
    %cond3A_55 = arith.constant 0 : i32
    %cond3A_56 = arith.cmpi ne, %convert_element_type3A_54, %cond3A_55 : i32
    scf.if %cond3A_56 {
      %get3A_57 = arith.constant 0 : index
      %get3A_58 = arith.constant 0 : index
      %get3A_59 = vector.load %arg4[%get3A_57, %get3A_58] : memref<1024x128xi32, #tpu.memory_space<vmem>>, vector<1024x128xi32>
      %get3A_60 = arith.constant 0 : index
      %get3A_61 = arith.constant 0 : index
      %get3A_62 = vector.load %arg5[%get3A_60, %get3A_61] : memref<1024x128xi32, #tpu.memory_space<vmem>>, vector<1024x128xi32>
      %concatenate3A = tpu.concatenate %get3A_59, %get3A_62 in 1 : vector<1024x128xi32>, vector<1024x128xi32> -> vector<1024x256xi32>
      %reduce_min3A = arith.constant dense<2147483647> : vector<1024xi32>
      %reduce_min3A_63 = vector.multi_reduction <minsi>, %concatenate3A, %reduce_min3A [1] : vector<1024x256xi32> to vector<1024xi32>
      %broadcast_in_dim3A_64 = vector.shape_cast %reduce_min3A_63 : vector<1024xi32> to vector<1024x1xi32>
      %eq3A_65 = vector.broadcast %broadcast_in_dim3A_64 : vector<1024x1xi32> to vector<1024x256xi32>
      %eq3A_66 = arith.cmpi eq, %concatenate3A, %eq3A_65 : vector<1024x256xi32>
      %jit3A = arith.constant 2147483647 : i32
      %broadcast_in_dim3A_67 = vector.broadcast %jit3A : i32 to vector<1024x256xi32>
      %select_n3A_68 = arith.select %eq3A_66, %broadcast_in_dim3A_67, %concatenate3A : vector<1024x256xi1>, vector<1024x256xi32>
      %reduce_min3A_69 = arith.constant dense<2147483647> : vector<1024xi32>
      %reduce_min3A_70 = vector.multi_reduction <minsi>, %select_n3A_68, %reduce_min3A_69 [1] : vector<1024x256xi32> to vector<1024xi32>
      %broadcast_in_dim3A_71 = vector.shape_cast %reduce_min3A_70 : vector<1024xi32> to vector<1024x1xi32>
      %eq3A_72 = vector.broadcast %broadcast_in_dim3A_71 : vector<1024x1xi32> to vector<1024x256xi32>
      %eq3A_73 = arith.cmpi eq, %select_n3A_68, %eq3A_72 : vector<1024x256xi32>
      %jit3A_74 = arith.constant 2147483647 : i32
      %broadcast_in_dim3A_75 = vector.broadcast %jit3A_74 : i32 to vector<1024x256xi32>
      %select_n3A_76 = arith.select %eq3A_73, %broadcast_in_dim3A_75, %select_n3A_68 : vector<1024x256xi1>, vector<1024x256xi32>
      %reduce_min3A_77 = arith.constant dense<2147483647> : vector<1024xi32>
      %reduce_min3A_78 = vector.multi_reduction <minsi>, %select_n3A_76, %reduce_min3A_77 [1] : vector<1024x256xi32> to vector<1024xi32>
      %broadcast_in_dim3A_79 = vector.shape_cast %reduce_min3A_78 : vector<1024xi32> to vector<1024x1xi32>
      %eq3A_80 = vector.broadcast %broadcast_in_dim3A_79 : vector<1024x1xi32> to vector<1024x256xi32>
      %eq3A_81 = arith.cmpi eq, %select_n3A_76, %eq3A_80 : vector<1024x256xi32>
      %jit3A_82 = arith.constant 2147483647 : i32
      %broadcast_in_dim3A_83 = vector.broadcast %jit3A_82 : i32 to vector<1024x256xi32>
      %select_n3A_84 = arith.select %eq3A_81, %broadcast_in_dim3A_83, %select_n3A_76 : vector<1024x256xi1>, vector<1024x256xi32>
      %reduce_min3A_85 = arith.constant dense<2147483647> : vector<1024xi32>
      %reduce_min3A_86 = vector.multi_reduction <minsi>, %select_n3A_84, %reduce_min3A_85 [1] : vector<1024x256xi32> to vector<1024xi32>
      %broadcast_in_dim3A_87 = vector.shape_cast %reduce_min3A_86 : vector<1024xi32> to vector<1024x1xi32>
      %eq3A_88 = vector.broadcast %broadcast_in_dim3A_87 : vector<1024x1xi32> to vector<1024x256xi32>
      %eq3A_89 = arith.cmpi eq, %select_n3A_84, %eq3A_88 : vector<1024x256xi32>
      %jit3A_90 = arith.constant 2147483647 : i32
      %broadcast_in_dim3A_91 = vector.broadcast %jit3A_90 : i32 to vector<1024x256xi32>
      %select_n3A_92 = arith.select %eq3A_89, %broadcast_in_dim3A_91, %select_n3A_84 : vector<1024x256xi1>, vector<1024x256xi32>
      %reduce_min3A_93 = arith.constant dense<2147483647> : vector<1024xi32>
      %reduce_min3A_94 = vector.multi_reduction <minsi>, %select_n3A_92, %reduce_min3A_93 [1] : vector<1024x256xi32> to vector<1024xi32>
      %broadcast_in_dim3A_95 = vector.shape_cast %reduce_min3A_94 : vector<1024xi32> to vector<1024x1xi32>
      %eq3A_96 = vector.broadcast %broadcast_in_dim3A_95 : vector<1024x1xi32> to vector<1024x256xi32>
      %eq3A_97 = arith.cmpi eq, %select_n3A_92, %eq3A_96 : vector<1024x256xi32>
      %jit3A_98 = arith.constant 2147483647 : i32
      %broadcast_in_dim3A_99 = vector.broadcast %jit3A_98 : i32 to vector<1024x256xi32>
      %select_n3A_100 = arith.select %eq3A_97, %broadcast_in_dim3A_99, %select_n3A_92 : vector<1024x256xi1>, vector<1024x256xi32>
      %reduce_min3A_101 = arith.constant dense<2147483647> : vector<1024xi32>
      %reduce_min3A_102 = vector.multi_reduction <minsi>, %select_n3A_100, %reduce_min3A_101 [1] : vector<1024x256xi32> to vector<1024xi32>
      %broadcast_in_dim3A_103 = vector.shape_cast %reduce_min3A_102 : vector<1024xi32> to vector<1024x1xi32>
      %eq3A_104 = vector.broadcast %broadcast_in_dim3A_103 : vector<1024x1xi32> to vector<1024x256xi32>
      %eq3A_105 = arith.cmpi eq, %select_n3A_100, %eq3A_104 : vector<1024x256xi32>
      %jit3A_106 = arith.constant 2147483647 : i32
      %broadcast_in_dim3A_107 = vector.broadcast %jit3A_106 : i32 to vector<1024x256xi32>
      %select_n3A_108 = arith.select %eq3A_105, %broadcast_in_dim3A_107, %select_n3A_100 : vector<1024x256xi1>, vector<1024x256xi32>
      %reduce_min3A_109 = arith.constant dense<2147483647> : vector<1024xi32>
      %reduce_min3A_110 = vector.multi_reduction <minsi>, %select_n3A_108, %reduce_min3A_109 [1] : vector<1024x256xi32> to vector<1024xi32>
      %broadcast_in_dim3A_111 = vector.shape_cast %reduce_min3A_110 : vector<1024xi32> to vector<1024x1xi32>
      %eq3A_112 = vector.broadcast %broadcast_in_dim3A_111 : vector<1024x1xi32> to vector<1024x256xi32>
      %eq3A_113 = arith.cmpi eq, %select_n3A_108, %eq3A_112 : vector<1024x256xi32>
      %jit3A_114 = arith.constant 2147483647 : i32
      %broadcast_in_dim3A_115 = vector.broadcast %jit3A_114 : i32 to vector<1024x256xi32>
      %select_n3A_116 = arith.select %eq3A_113, %broadcast_in_dim3A_115, %select_n3A_108 : vector<1024x256xi1>, vector<1024x256xi32>
      %reduce_min3A_117 = arith.constant dense<2147483647> : vector<1024xi32>
      %reduce_min3A_118 = vector.multi_reduction <minsi>, %select_n3A_116, %reduce_min3A_117 [1] : vector<1024x256xi32> to vector<1024xi32>
      %broadcast_in_dim3A_119 = vector.shape_cast %reduce_min3A_118 : vector<1024xi32> to vector<1024x1xi32>
      %concatenate3A_120 = tpu.concatenate %broadcast_in_dim3A_64, %broadcast_in_dim3A_71, %broadcast_in_dim3A_79, %broadcast_in_dim3A_87, %broadcast_in_dim3A_95, %broadcast_in_dim3A_103, %broadcast_in_dim3A_111, %broadcast_in_dim3A_119 in 1 : vector<1024x1xi32>, vector<1024x1xi32>, vector<1024x1xi32>, vector<1024x1xi32>, vector<1024x1xi32>, vector<1024x1xi32>, vector<1024x1xi32>, vector<1024x1xi32> -> vector<1024x8xi32>
      %and3A_121 = arith.constant 8191 : i32
      %and3A_122 = vector.broadcast %and3A_121 : i32 to vector<1024x8xi32>
      %and3A_123 = arith.andi %concatenate3A_120, %and3A_122 : vector<1024x8xi32>
      %swap3A = arith.constant 0 : index
      %swap3A_124 = arith.constant 0 : index
      %swap3A_125 = vector.load %arg3[%swap3A, %swap3A_124] : memref<1024x8xi32, #tpu.memory_space<vmem>>, vector<1024x8xi32>
      tpu.vector_store %arg3[%swap3A, %swap3A_124], %and3A_123 {strides = array<i32>} : memref<1024x8xi32, #tpu.memory_space<vmem>>, vector<1024x8xi32>,
    } else {
    }
    return
  }
  func.func @transform_0(%arg0: i32) -> (i32, i32) {
    %c0_i32 = arith.constant 0 : i32
    %c0_i32_0 = arith.constant 0 : i32
    %c0_i32_1 = arith.constant 0 : i32
    return %c0_i32, %c0_i32_0 : i32, i32
  }
  func.func @transform_1(%arg0: i32) -> (i32, i32) {
    %c0_i32 = arith.constant 0 : i32
    %c0_i32_0 = arith.constant 0 : i32
    return %c0_i32, %arg0 : i32, i32
  }
  func.func @transform_2(%arg0: i32) -> (i32, i32) {
    %c0_i32 = arith.constant 0 : i32
    %c0_i32_0 = arith.constant 0 : i32
    %c0_i32_1 = arith.constant 0 : i32
    return %c0_i32, %c0_i32_0 : i32, i32
  }
}

module attributes {stable_mosaic.version = 14 : i64} {
  func.func @_exact_kernel(%arg0: memref<8192x128xf32, #tpu.memory_space<vmem>>, %arg1: memref<1024x64xf32, #tpu.memory_space<vmem>>, %arg2: memref<1024x8xi32, #tpu.memory_space<vmem>>, %arg3: memref<1024x1xi32, #tpu.memory_space<vmem>>, %arg4: memref<1024x64xf32, #tpu.memory_space<vmem>>, %arg5: memref<1x1xf32, #tpu.memory_space<vmem>>, %arg6: memref<1x1xf32, #tpu.memory_space<vmem>>, %arg7: memref<8x1024xf32, #tpu.memory_space<vmem>>) attributes {dimension_semantics = [], scalar_prefetch = 0 : i64, scratch_operands = 1 : i64, tpu.core_type = #tpu.core_type<tc>} {
    %get3A = arith.constant 0 : index
    %get3A_0 = arith.constant 0 : index
    %get3A_1 = vector.load %arg1[%get3A, %get3A_0] : memref<1024x64xf32, #tpu.memory_space<vmem>>, vector<1024x64xf32>
    %transpose3A = tpu.transpose %get3A_1, [1, 0] : vector<1024x64xf32> -> vector<64x1024xf32>
    %get3A_2 = arith.constant 0 : index
    %get3A_3 = arith.constant 0 : index
    %get3A_4 = vector.load %arg2[%get3A_2, %get3A_3] : memref<1024x8xi32, #tpu.memory_space<vmem>>, vector<1024x8xi32>
    %get3A_5 = arith.constant 0 : index
    %get3A_6 = arith.constant 0 : index
    %get3A_7 = vector.load %arg0[%get3A_5, %get3A_6] : memref<8192x128xf32, #tpu.memory_space<vmem>>, vector<1024x128xf32>
    %slice3A = vector.extract_strided_slice %get3A_4 {offsets = [0, 0], sizes = [1024, 1], strides = [1, 1]} : vector<1024x8xi32> to vector<1024x1xi32>
    %and3A = arith.constant 1 : i32
    %and3A_8 = vector.broadcast %and3A : i32 to vector<1024x1xi32>
    %and3A_9 = arith.andi %slice3A, %and3A_8 : vector<1024x1xi32>
    %eq3A = arith.constant 1 : i32
    %eq3A_10 = vector.broadcast %eq3A : i32 to vector<1024x1xi32>
    %eq3A_11 = arith.cmpi eq, %and3A_9, %eq3A_10 : vector<1024x1xi32>
    %slice3A_12 = vector.extract_strided_slice %get3A_7 {offsets = [0, 64], sizes = [1024, 64], strides = [1, 1]} : vector<1024x128xf32> to vector<1024x64xf32>
    %slice3A_13 = vector.extract_strided_slice %get3A_7 {offsets = [0, 0], sizes = [1024, 64], strides = [1, 1]} : vector<1024x128xf32> to vector<1024x64xf32>
    %broadcast_in_dim3A = vector.shape_cast %eq3A_11 : vector<1024x1xi1> to vector<1024x1xi1>
    %broadcast_in_dim3A_14 = vector.broadcast %broadcast_in_dim3A : vector<1024x1xi1> to vector<1024x64xi1>
    %select_n3A = arith.select %broadcast_in_dim3A_14, %slice3A_12, %slice3A_13 : vector<1024x64xi1>, vector<1024x64xf32>
    %get3A_15 = arith.constant 1024 : index
    %get3A_16 = arith.constant 0 : index
    %get3A_17 = vector.load %arg0[%get3A_15, %get3A_16] : memref<8192x128xf32, #tpu.memory_space<vmem>>, vector<1024x128xf32>
    %slice3A_18 = vector.extract_strided_slice %get3A_4 {offsets = [0, 1], sizes = [1024, 1], strides = [1, 1]} : vector<1024x8xi32> to vector<1024x1xi32>
    %and3A_19 = arith.constant 1 : i32
    %and3A_20 = vector.broadcast %and3A_19 : i32 to vector<1024x1xi32>
    %and3A_21 = arith.andi %slice3A_18, %and3A_20 : vector<1024x1xi32>
    %eq3A_22 = arith.constant 1 : i32
    %eq3A_23 = vector.broadcast %eq3A_22 : i32 to vector<1024x1xi32>
    %eq3A_24 = arith.cmpi eq, %and3A_21, %eq3A_23 : vector<1024x1xi32>
    %slice3A_25 = vector.extract_strided_slice %get3A_17 {offsets = [0, 64], sizes = [1024, 64], strides = [1, 1]} : vector<1024x128xf32> to vector<1024x64xf32>
    %slice3A_26 = vector.extract_strided_slice %get3A_17 {offsets = [0, 0], sizes = [1024, 64], strides = [1, 1]} : vector<1024x128xf32> to vector<1024x64xf32>
    %broadcast_in_dim3A_27 = vector.shape_cast %eq3A_24 : vector<1024x1xi1> to vector<1024x1xi1>
    %broadcast_in_dim3A_28 = vector.broadcast %broadcast_in_dim3A_27 : vector<1024x1xi1> to vector<1024x64xi1>
    %select_n3A_29 = arith.select %broadcast_in_dim3A_28, %slice3A_25, %slice3A_26 : vector<1024x64xi1>, vector<1024x64xf32>
    %get3A_30 = arith.constant 2048 : index
    %get3A_31 = arith.constant 0 : index
    %get3A_32 = vector.load %arg0[%get3A_30, %get3A_31] : memref<8192x128xf32, #tpu.memory_space<vmem>>, vector<1024x128xf32>
    %slice3A_33 = vector.extract_strided_slice %get3A_4 {offsets = [0, 2], sizes = [1024, 1], strides = [1, 1]} : vector<1024x8xi32> to vector<1024x1xi32>
    %and3A_34 = arith.constant 1 : i32
    %and3A_35 = vector.broadcast %and3A_34 : i32 to vector<1024x1xi32>
    %and3A_36 = arith.andi %slice3A_33, %and3A_35 : vector<1024x1xi32>
    %eq3A_37 = arith.constant 1 : i32
    %eq3A_38 = vector.broadcast %eq3A_37 : i32 to vector<1024x1xi32>
    %eq3A_39 = arith.cmpi eq, %and3A_36, %eq3A_38 : vector<1024x1xi32>
    %slice3A_40 = vector.extract_strided_slice %get3A_32 {offsets = [0, 64], sizes = [1024, 64], strides = [1, 1]} : vector<1024x128xf32> to vector<1024x64xf32>
    %slice3A_41 = vector.extract_strided_slice %get3A_32 {offsets = [0, 0], sizes = [1024, 64], strides = [1, 1]} : vector<1024x128xf32> to vector<1024x64xf32>
    %broadcast_in_dim3A_42 = vector.shape_cast %eq3A_39 : vector<1024x1xi1> to vector<1024x1xi1>
    %broadcast_in_dim3A_43 = vector.broadcast %broadcast_in_dim3A_42 : vector<1024x1xi1> to vector<1024x64xi1>
    %select_n3A_44 = arith.select %broadcast_in_dim3A_43, %slice3A_40, %slice3A_41 : vector<1024x64xi1>, vector<1024x64xf32>
    %get3A_45 = arith.constant 3072 : index
    %get3A_46 = arith.constant 0 : index
    %get3A_47 = vector.load %arg0[%get3A_45, %get3A_46] : memref<8192x128xf32, #tpu.memory_space<vmem>>, vector<1024x128xf32>
    %slice3A_48 = vector.extract_strided_slice %get3A_4 {offsets = [0, 3], sizes = [1024, 1], strides = [1, 1]} : vector<1024x8xi32> to vector<1024x1xi32>
    %and3A_49 = arith.constant 1 : i32
    %and3A_50 = vector.broadcast %and3A_49 : i32 to vector<1024x1xi32>
    %and3A_51 = arith.andi %slice3A_48, %and3A_50 : vector<1024x1xi32>
    %eq3A_52 = arith.constant 1 : i32
    %eq3A_53 = vector.broadcast %eq3A_52 : i32 to vector<1024x1xi32>
    %eq3A_54 = arith.cmpi eq, %and3A_51, %eq3A_53 : vector<1024x1xi32>
    %slice3A_55 = vector.extract_strided_slice %get3A_47 {offsets = [0, 64], sizes = [1024, 64], strides = [1, 1]} : vector<1024x128xf32> to vector<1024x64xf32>
    %slice3A_56 = vector.extract_strided_slice %get3A_47 {offsets = [0, 0], sizes = [1024, 64], strides = [1, 1]} : vector<1024x128xf32> to vector<1024x64xf32>
    %broadcast_in_dim3A_57 = vector.shape_cast %eq3A_54 : vector<1024x1xi1> to vector<1024x1xi1>
    %broadcast_in_dim3A_58 = vector.broadcast %broadcast_in_dim3A_57 : vector<1024x1xi1> to vector<1024x64xi1>
    %select_n3A_59 = arith.select %broadcast_in_dim3A_58, %slice3A_55, %slice3A_56 : vector<1024x64xi1>, vector<1024x64xf32>
    %get3A_60 = arith.constant 4096 : index
    %get3A_61 = arith.constant 0 : index
    %get3A_62 = vector.load %arg0[%get3A_60, %get3A_61] : memref<8192x128xf32, #tpu.memory_space<vmem>>, vector<1024x128xf32>
    %slice3A_63 = vector.extract_strided_slice %get3A_4 {offsets = [0, 4], sizes = [1024, 1], strides = [1, 1]} : vector<1024x8xi32> to vector<1024x1xi32>
    %and3A_64 = arith.constant 1 : i32
    %and3A_65 = vector.broadcast %and3A_64 : i32 to vector<1024x1xi32>
    %and3A_66 = arith.andi %slice3A_63, %and3A_65 : vector<1024x1xi32>
    %eq3A_67 = arith.constant 1 : i32
    %eq3A_68 = vector.broadcast %eq3A_67 : i32 to vector<1024x1xi32>
    %eq3A_69 = arith.cmpi eq, %and3A_66, %eq3A_68 : vector<1024x1xi32>
    %slice3A_70 = vector.extract_strided_slice %get3A_62 {offsets = [0, 64], sizes = [1024, 64], strides = [1, 1]} : vector<1024x128xf32> to vector<1024x64xf32>
    %slice3A_71 = vector.extract_strided_slice %get3A_62 {offsets = [0, 0], sizes = [1024, 64], strides = [1, 1]} : vector<1024x128xf32> to vector<1024x64xf32>
    %broadcast_in_dim3A_72 = vector.shape_cast %eq3A_69 : vector<1024x1xi1> to vector<1024x1xi1>
    %broadcast_in_dim3A_73 = vector.broadcast %broadcast_in_dim3A_72 : vector<1024x1xi1> to vector<1024x64xi1>
    %select_n3A_74 = arith.select %broadcast_in_dim3A_73, %slice3A_70, %slice3A_71 : vector<1024x64xi1>, vector<1024x64xf32>
    %get3A_75 = arith.constant 5120 : index
    %get3A_76 = arith.constant 0 : index
    %get3A_77 = vector.load %arg0[%get3A_75, %get3A_76] : memref<8192x128xf32, #tpu.memory_space<vmem>>, vector<1024x128xf32>
    %slice3A_78 = vector.extract_strided_slice %get3A_4 {offsets = [0, 5], sizes = [1024, 1], strides = [1, 1]} : vector<1024x8xi32> to vector<1024x1xi32>
    %and3A_79 = arith.constant 1 : i32
    %and3A_80 = vector.broadcast %and3A_79 : i32 to vector<1024x1xi32>
    %and3A_81 = arith.andi %slice3A_78, %and3A_80 : vector<1024x1xi32>
    %eq3A_82 = arith.constant 1 : i32
    %eq3A_83 = vector.broadcast %eq3A_82 : i32 to vector<1024x1xi32>
    %eq3A_84 = arith.cmpi eq, %and3A_81, %eq3A_83 : vector<1024x1xi32>
    %slice3A_85 = vector.extract_strided_slice %get3A_77 {offsets = [0, 64], sizes = [1024, 64], strides = [1, 1]} : vector<1024x128xf32> to vector<1024x64xf32>
    %slice3A_86 = vector.extract_strided_slice %get3A_77 {offsets = [0, 0], sizes = [1024, 64], strides = [1, 1]} : vector<1024x128xf32> to vector<1024x64xf32>
    %broadcast_in_dim3A_87 = vector.shape_cast %eq3A_84 : vector<1024x1xi1> to vector<1024x1xi1>
    %broadcast_in_dim3A_88 = vector.broadcast %broadcast_in_dim3A_87 : vector<1024x1xi1> to vector<1024x64xi1>
    %select_n3A_89 = arith.select %broadcast_in_dim3A_88, %slice3A_85, %slice3A_86 : vector<1024x64xi1>, vector<1024x64xf32>
    %get3A_90 = arith.constant 6144 : index
    %get3A_91 = arith.constant 0 : index
    %get3A_92 = vector.load %arg0[%get3A_90, %get3A_91] : memref<8192x128xf32, #tpu.memory_space<vmem>>, vector<1024x128xf32>
    %slice3A_93 = vector.extract_strided_slice %get3A_4 {offsets = [0, 6], sizes = [1024, 1], strides = [1, 1]} : vector<1024x8xi32> to vector<1024x1xi32>
    %and3A_94 = arith.constant 1 : i32
    %and3A_95 = vector.broadcast %and3A_94 : i32 to vector<1024x1xi32>
    %and3A_96 = arith.andi %slice3A_93, %and3A_95 : vector<1024x1xi32>
    %eq3A_97 = arith.constant 1 : i32
    %eq3A_98 = vector.broadcast %eq3A_97 : i32 to vector<1024x1xi32>
    %eq3A_99 = arith.cmpi eq, %and3A_96, %eq3A_98 : vector<1024x1xi32>
    %slice3A_100 = vector.extract_strided_slice %get3A_92 {offsets = [0, 64], sizes = [1024, 64], strides = [1, 1]} : vector<1024x128xf32> to vector<1024x64xf32>
    %slice3A_101 = vector.extract_strided_slice %get3A_92 {offsets = [0, 0], sizes = [1024, 64], strides = [1, 1]} : vector<1024x128xf32> to vector<1024x64xf32>
    %broadcast_in_dim3A_102 = vector.shape_cast %eq3A_99 : vector<1024x1xi1> to vector<1024x1xi1>
    %broadcast_in_dim3A_103 = vector.broadcast %broadcast_in_dim3A_102 : vector<1024x1xi1> to vector<1024x64xi1>
    %select_n3A_104 = arith.select %broadcast_in_dim3A_103, %slice3A_100, %slice3A_101 : vector<1024x64xi1>, vector<1024x64xf32>
    %get3A_105 = arith.constant 7168 : index
    %get3A_106 = arith.constant 0 : index
    %get3A_107 = vector.load %arg0[%get3A_105, %get3A_106] : memref<8192x128xf32, #tpu.memory_space<vmem>>, vector<1024x128xf32>
    %slice3A_108 = vector.extract_strided_slice %get3A_4 {offsets = [0, 7], sizes = [1024, 1], strides = [1, 1]} : vector<1024x8xi32> to vector<1024x1xi32>
    %and3A_109 = arith.constant 1 : i32
    %and3A_110 = vector.broadcast %and3A_109 : i32 to vector<1024x1xi32>
    %and3A_111 = arith.andi %slice3A_108, %and3A_110 : vector<1024x1xi32>
    %eq3A_112 = arith.constant 1 : i32
    %eq3A_113 = vector.broadcast %eq3A_112 : i32 to vector<1024x1xi32>
    %eq3A_114 = arith.cmpi eq, %and3A_111, %eq3A_113 : vector<1024x1xi32>
    %slice3A_115 = vector.extract_strided_slice %get3A_107 {offsets = [0, 64], sizes = [1024, 64], strides = [1, 1]} : vector<1024x128xf32> to vector<1024x64xf32>
    %slice3A_116 = vector.extract_strided_slice %get3A_107 {offsets = [0, 0], sizes = [1024, 64], strides = [1, 1]} : vector<1024x128xf32> to vector<1024x64xf32>
    %broadcast_in_dim3A_117 = vector.shape_cast %eq3A_114 : vector<1024x1xi1> to vector<1024x1xi1>
    %broadcast_in_dim3A_118 = vector.broadcast %broadcast_in_dim3A_117 : vector<1024x1xi1> to vector<1024x64xi1>
    %select_n3A_119 = arith.select %broadcast_in_dim3A_118, %slice3A_115, %slice3A_116 : vector<1024x64xi1>, vector<1024x64xf32>
    %transpose3A_120 = tpu.transpose %select_n3A, [1, 0] : vector<1024x64xf32> -> vector<64x1024xf32>
    %sub3A = arith.subf %transpose3A, %transpose3A_120 : vector<64x1024xf32>
    %mul3A = arith.mulf %sub3A, %sub3A : vector<64x1024xf32>
    %slice3A_121 = vector.extract_strided_slice %mul3A {offsets = [0, 0], sizes = [1, 1024], strides = [1, 1]} : vector<64x1024xf32> to vector<1x1024xf32>
    %slice3A_122 = vector.extract_strided_slice %mul3A {offsets = [1, 0], sizes = [1, 1024], strides = [1, 1]} : vector<64x1024xf32> to vector<1x1024xf32>
    %slice3A_123 = vector.extract_strided_slice %mul3A {offsets = [2, 0], sizes = [1, 1024], strides = [1, 1]} : vector<64x1024xf32> to vector<1x1024xf32>
    %slice3A_124 = vector.extract_strided_slice %mul3A {offsets = [3, 0], sizes = [1, 1024], strides = [1, 1]} : vector<64x1024xf32> to vector<1x1024xf32>
    %slice3A_125 = vector.extract_strided_slice %mul3A {offsets = [4, 0], sizes = [1, 1024], strides = [1, 1]} : vector<64x1024xf32> to vector<1x1024xf32>
    %slice3A_126 = vector.extract_strided_slice %mul3A {offsets = [5, 0], sizes = [1, 1024], strides = [1, 1]} : vector<64x1024xf32> to vector<1x1024xf32>
    %slice3A_127 = vector.extract_strided_slice %mul3A {offsets = [6, 0], sizes = [1, 1024], strides = [1, 1]} : vector<64x1024xf32> to vector<1x1024xf32>
    %slice3A_128 = vector.extract_strided_slice %mul3A {offsets = [7, 0], sizes = [1, 1024], strides = [1, 1]} : vector<64x1024xf32> to vector<1x1024xf32>
    %slice3A_129 = vector.extract_strided_slice %mul3A {offsets = [8, 0], sizes = [1, 1024], strides = [1, 1]} : vector<64x1024xf32> to vector<1x1024xf32>
    %slice3A_130 = vector.extract_strided_slice %mul3A {offsets = [9, 0], sizes = [1, 1024], strides = [1, 1]} : vector<64x1024xf32> to vector<1x1024xf32>
    %slice3A_131 = vector.extract_strided_slice %mul3A {offsets = [10, 0], sizes = [1, 1024], strides = [1, 1]} : vector<64x1024xf32> to vector<1x1024xf32>
    %slice3A_132 = vector.extract_strided_slice %mul3A {offsets = [11, 0], sizes = [1, 1024], strides = [1, 1]} : vector<64x1024xf32> to vector<1x1024xf32>
    %slice3A_133 = vector.extract_strided_slice %mul3A {offsets = [12, 0], sizes = [1, 1024], strides = [1, 1]} : vector<64x1024xf32> to vector<1x1024xf32>
    %slice3A_134 = vector.extract_strided_slice %mul3A {offsets = [13, 0], sizes = [1, 1024], strides = [1, 1]} : vector<64x1024xf32> to vector<1x1024xf32>
    %slice3A_135 = vector.extract_strided_slice %mul3A {offsets = [14, 0], sizes = [1, 1024], strides = [1, 1]} : vector<64x1024xf32> to vector<1x1024xf32>
    %slice3A_136 = vector.extract_strided_slice %mul3A {offsets = [15, 0], sizes = [1, 1024], strides = [1, 1]} : vector<64x1024xf32> to vector<1x1024xf32>
    %slice3A_137 = vector.extract_strided_slice %mul3A {offsets = [16, 0], sizes = [1, 1024], strides = [1, 1]} : vector<64x1024xf32> to vector<1x1024xf32>
    %slice3A_138 = vector.extract_strided_slice %mul3A {offsets = [17, 0], sizes = [1, 1024], strides = [1, 1]} : vector<64x1024xf32> to vector<1x1024xf32>
    %slice3A_139 = vector.extract_strided_slice %mul3A {offsets = [18, 0], sizes = [1, 1024], strides = [1, 1]} : vector<64x1024xf32> to vector<1x1024xf32>
    %slice3A_140 = vector.extract_strided_slice %mul3A {offsets = [19, 0], sizes = [1, 1024], strides = [1, 1]} : vector<64x1024xf32> to vector<1x1024xf32>
    %slice3A_141 = vector.extract_strided_slice %mul3A {offsets = [20, 0], sizes = [1, 1024], strides = [1, 1]} : vector<64x1024xf32> to vector<1x1024xf32>
    %slice3A_142 = vector.extract_strided_slice %mul3A {offsets = [21, 0], sizes = [1, 1024], strides = [1, 1]} : vector<64x1024xf32> to vector<1x1024xf32>
    %slice3A_143 = vector.extract_strided_slice %mul3A {offsets = [22, 0], sizes = [1, 1024], strides = [1, 1]} : vector<64x1024xf32> to vector<1x1024xf32>
    %slice3A_144 = vector.extract_strided_slice %mul3A {offsets = [23, 0], sizes = [1, 1024], strides = [1, 1]} : vector<64x1024xf32> to vector<1x1024xf32>
    %slice3A_145 = vector.extract_strided_slice %mul3A {offsets = [24, 0], sizes = [1, 1024], strides = [1, 1]} : vector<64x1024xf32> to vector<1x1024xf32>
    %slice3A_146 = vector.extract_strided_slice %mul3A {offsets = [25, 0], sizes = [1, 1024], strides = [1, 1]} : vector<64x1024xf32> to vector<1x1024xf32>
    %slice3A_147 = vector.extract_strided_slice %mul3A {offsets = [26, 0], sizes = [1, 1024], strides = [1, 1]} : vector<64x1024xf32> to vector<1x1024xf32>
    %slice3A_148 = vector.extract_strided_slice %mul3A {offsets = [27, 0], sizes = [1, 1024], strides = [1, 1]} : vector<64x1024xf32> to vector<1x1024xf32>
    %slice3A_149 = vector.extract_strided_slice %mul3A {offsets = [28, 0], sizes = [1, 1024], strides = [1, 1]} : vector<64x1024xf32> to vector<1x1024xf32>
    %slice3A_150 = vector.extract_strided_slice %mul3A {offsets = [29, 0], sizes = [1, 1024], strides = [1, 1]} : vector<64x1024xf32> to vector<1x1024xf32>
    %slice3A_151 = vector.extract_strided_slice %mul3A {offsets = [30, 0], sizes = [1, 1024], strides = [1, 1]} : vector<64x1024xf32> to vector<1x1024xf32>
    %slice3A_152 = vector.extract_strided_slice %mul3A {offsets = [31, 0], sizes = [1, 1024], strides = [1, 1]} : vector<64x1024xf32> to vector<1x1024xf32>
    %slice3A_153 = vector.extract_strided_slice %mul3A {offsets = [32, 0], sizes = [1, 1024], strides = [1, 1]} : vector<64x1024xf32> to vector<1x1024xf32>
    %slice3A_154 = vector.extract_strided_slice %mul3A {offsets = [33, 0], sizes = [1, 1024], strides = [1, 1]} : vector<64x1024xf32> to vector<1x1024xf32>
    %slice3A_155 = vector.extract_strided_slice %mul3A {offsets = [34, 0], sizes = [1, 1024], strides = [1, 1]} : vector<64x1024xf32> to vector<1x1024xf32>
    %slice3A_156 = vector.extract_strided_slice %mul3A {offsets = [35, 0], sizes = [1, 1024], strides = [1, 1]} : vector<64x1024xf32> to vector<1x1024xf32>
    %slice3A_157 = vector.extract_strided_slice %mul3A {offsets = [36, 0], sizes = [1, 1024], strides = [1, 1]} : vector<64x1024xf32> to vector<1x1024xf32>
    %slice3A_158 = vector.extract_strided_slice %mul3A {offsets = [37, 0], sizes = [1, 1024], strides = [1, 1]} : vector<64x1024xf32> to vector<1x1024xf32>
    %slice3A_159 = vector.extract_strided_slice %mul3A {offsets = [38, 0], sizes = [1, 1024], strides = [1, 1]} : vector<64x1024xf32> to vector<1x1024xf32>
    %slice3A_160 = vector.extract_strided_slice %mul3A {offsets = [39, 0], sizes = [1, 1024], strides = [1, 1]} : vector<64x1024xf32> to vector<1x1024xf32>
    %slice3A_161 = vector.extract_strided_slice %mul3A {offsets = [40, 0], sizes = [1, 1024], strides = [1, 1]} : vector<64x1024xf32> to vector<1x1024xf32>
    %slice3A_162 = vector.extract_strided_slice %mul3A {offsets = [41, 0], sizes = [1, 1024], strides = [1, 1]} : vector<64x1024xf32> to vector<1x1024xf32>
    %slice3A_163 = vector.extract_strided_slice %mul3A {offsets = [42, 0], sizes = [1, 1024], strides = [1, 1]} : vector<64x1024xf32> to vector<1x1024xf32>
    %slice3A_164 = vector.extract_strided_slice %mul3A {offsets = [43, 0], sizes = [1, 1024], strides = [1, 1]} : vector<64x1024xf32> to vector<1x1024xf32>
    %slice3A_165 = vector.extract_strided_slice %mul3A {offsets = [44, 0], sizes = [1, 1024], strides = [1, 1]} : vector<64x1024xf32> to vector<1x1024xf32>
    %slice3A_166 = vector.extract_strided_slice %mul3A {offsets = [45, 0], sizes = [1, 1024], strides = [1, 1]} : vector<64x1024xf32> to vector<1x1024xf32>
    %slice3A_167 = vector.extract_strided_slice %mul3A {offsets = [46, 0], sizes = [1, 1024], strides = [1, 1]} : vector<64x1024xf32> to vector<1x1024xf32>
    %slice3A_168 = vector.extract_strided_slice %mul3A {offsets = [47, 0], sizes = [1, 1024], strides = [1, 1]} : vector<64x1024xf32> to vector<1x1024xf32>
    %slice3A_169 = vector.extract_strided_slice %mul3A {offsets = [48, 0], sizes = [1, 1024], strides = [1, 1]} : vector<64x1024xf32> to vector<1x1024xf32>
    %slice3A_170 = vector.extract_strided_slice %mul3A {offsets = [49, 0], sizes = [1, 1024], strides = [1, 1]} : vector<64x1024xf32> to vector<1x1024xf32>
    %slice3A_171 = vector.extract_strided_slice %mul3A {offsets = [50, 0], sizes = [1, 1024], strides = [1, 1]} : vector<64x1024xf32> to vector<1x1024xf32>
    %slice3A_172 = vector.extract_strided_slice %mul3A {offsets = [51, 0], sizes = [1, 1024], strides = [1, 1]} : vector<64x1024xf32> to vector<1x1024xf32>
    %slice3A_173 = vector.extract_strided_slice %mul3A {offsets = [52, 0], sizes = [1, 1024], strides = [1, 1]} : vector<64x1024xf32> to vector<1x1024xf32>
    %slice3A_174 = vector.extract_strided_slice %mul3A {offsets = [53, 0], sizes = [1, 1024], strides = [1, 1]} : vector<64x1024xf32> to vector<1x1024xf32>
    %slice3A_175 = vector.extract_strided_slice %mul3A {offsets = [54, 0], sizes = [1, 1024], strides = [1, 1]} : vector<64x1024xf32> to vector<1x1024xf32>
    %slice3A_176 = vector.extract_strided_slice %mul3A {offsets = [55, 0], sizes = [1, 1024], strides = [1, 1]} : vector<64x1024xf32> to vector<1x1024xf32>
    %slice3A_177 = vector.extract_strided_slice %mul3A {offsets = [56, 0], sizes = [1, 1024], strides = [1, 1]} : vector<64x1024xf32> to vector<1x1024xf32>
    %slice3A_178 = vector.extract_strided_slice %mul3A {offsets = [57, 0], sizes = [1, 1024], strides = [1, 1]} : vector<64x1024xf32> to vector<1x1024xf32>
    %slice3A_179 = vector.extract_strided_slice %mul3A {offsets = [58, 0], sizes = [1, 1024], strides = [1, 1]} : vector<64x1024xf32> to vector<1x1024xf32>
    %slice3A_180 = vector.extract_strided_slice %mul3A {offsets = [59, 0], sizes = [1, 1024], strides = [1, 1]} : vector<64x1024xf32> to vector<1x1024xf32>
    %slice3A_181 = vector.extract_strided_slice %mul3A {offsets = [60, 0], sizes = [1, 1024], strides = [1, 1]} : vector<64x1024xf32> to vector<1x1024xf32>
    %slice3A_182 = vector.extract_strided_slice %mul3A {offsets = [61, 0], sizes = [1, 1024], strides = [1, 1]} : vector<64x1024xf32> to vector<1x1024xf32>
    %slice3A_183 = vector.extract_strided_slice %mul3A {offsets = [62, 0], sizes = [1, 1024], strides = [1, 1]} : vector<64x1024xf32> to vector<1x1024xf32>
    %slice3A_184 = vector.extract_strided_slice %mul3A {offsets = [63, 0], sizes = [1, 1024], strides = [1, 1]} : vector<64x1024xf32> to vector<1x1024xf32>
    %add3A = arith.addf %slice3A_121, %slice3A_125 : vector<1x1024xf32>
    %add3A_185 = arith.addf %slice3A_123, %slice3A_127 : vector<1x1024xf32>
    %add3A_186 = arith.addf %add3A, %add3A_185 : vector<1x1024xf32>
    %add3A_187 = arith.addf %slice3A_122, %slice3A_126 : vector<1x1024xf32>
    %add3A_188 = arith.addf %slice3A_124, %slice3A_128 : vector<1x1024xf32>
    %add3A_189 = arith.addf %add3A_187, %add3A_188 : vector<1x1024xf32>
    %add3A_190 = arith.addf %add3A_186, %add3A_189 : vector<1x1024xf32>
    %add3A_191 = arith.addf %slice3A_129, %slice3A_133 : vector<1x1024xf32>
    %add3A_192 = arith.addf %slice3A_131, %slice3A_135 : vector<1x1024xf32>
    %add3A_193 = arith.addf %add3A_191, %add3A_192 : vector<1x1024xf32>
    %add3A_194 = arith.addf %slice3A_130, %slice3A_134 : vector<1x1024xf32>
    %add3A_195 = arith.addf %slice3A_132, %slice3A_136 : vector<1x1024xf32>
    %add3A_196 = arith.addf %add3A_194, %add3A_195 : vector<1x1024xf32>
    %add3A_197 = arith.addf %add3A_193, %add3A_196 : vector<1x1024xf32>
    %add3A_198 = arith.addf %add3A_190, %add3A_197 : vector<1x1024xf32>
    %add3A_199 = arith.addf %slice3A_137, %slice3A_141 : vector<1x1024xf32>
    %add3A_200 = arith.addf %slice3A_139, %slice3A_143 : vector<1x1024xf32>
    %add3A_201 = arith.addf %add3A_199, %add3A_200 : vector<1x1024xf32>
    %add3A_202 = arith.addf %slice3A_138, %slice3A_142 : vector<1x1024xf32>
    %add3A_203 = arith.addf %slice3A_140, %slice3A_144 : vector<1x1024xf32>
    %add3A_204 = arith.addf %add3A_202, %add3A_203 : vector<1x1024xf32>
    %add3A_205 = arith.addf %add3A_201, %add3A_204 : vector<1x1024xf32>
    %add3A_206 = arith.addf %add3A_198, %add3A_205 : vector<1x1024xf32>
    %add3A_207 = arith.addf %slice3A_145, %slice3A_149 : vector<1x1024xf32>
    %add3A_208 = arith.addf %slice3A_147, %slice3A_151 : vector<1x1024xf32>
    %add3A_209 = arith.addf %add3A_207, %add3A_208 : vector<1x1024xf32>
    %add3A_210 = arith.addf %slice3A_146, %slice3A_150 : vector<1x1024xf32>
    %add3A_211 = arith.addf %slice3A_148, %slice3A_152 : vector<1x1024xf32>
    %add3A_212 = arith.addf %add3A_210, %add3A_211 : vector<1x1024xf32>
    %add3A_213 = arith.addf %add3A_209, %add3A_212 : vector<1x1024xf32>
    %add3A_214 = arith.addf %add3A_206, %add3A_213 : vector<1x1024xf32>
    %add3A_215 = arith.addf %slice3A_153, %slice3A_157 : vector<1x1024xf32>
    %add3A_216 = arith.addf %slice3A_155, %slice3A_159 : vector<1x1024xf32>
    %add3A_217 = arith.addf %add3A_215, %add3A_216 : vector<1x1024xf32>
    %add3A_218 = arith.addf %slice3A_154, %slice3A_158 : vector<1x1024xf32>
    %add3A_219 = arith.addf %slice3A_156, %slice3A_160 : vector<1x1024xf32>
    %add3A_220 = arith.addf %add3A_218, %add3A_219 : vector<1x1024xf32>
    %add3A_221 = arith.addf %add3A_217, %add3A_220 : vector<1x1024xf32>
    %add3A_222 = arith.addf %add3A_214, %add3A_221 : vector<1x1024xf32>
    %add3A_223 = arith.addf %slice3A_161, %slice3A_165 : vector<1x1024xf32>
    %add3A_224 = arith.addf %slice3A_163, %slice3A_167 : vector<1x1024xf32>
    %add3A_225 = arith.addf %add3A_223, %add3A_224 : vector<1x1024xf32>
    %add3A_226 = arith.addf %slice3A_162, %slice3A_166 : vector<1x1024xf32>
    %add3A_227 = arith.addf %slice3A_164, %slice3A_168 : vector<1x1024xf32>
    %add3A_228 = arith.addf %add3A_226, %add3A_227 : vector<1x1024xf32>
    %add3A_229 = arith.addf %add3A_225, %add3A_228 : vector<1x1024xf32>
    %add3A_230 = arith.addf %add3A_222, %add3A_229 : vector<1x1024xf32>
    %add3A_231 = arith.addf %slice3A_169, %slice3A_173 : vector<1x1024xf32>
    %add3A_232 = arith.addf %slice3A_171, %slice3A_175 : vector<1x1024xf32>
    %add3A_233 = arith.addf %add3A_231, %add3A_232 : vector<1x1024xf32>
    %add3A_234 = arith.addf %slice3A_170, %slice3A_174 : vector<1x1024xf32>
    %add3A_235 = arith.addf %slice3A_172, %slice3A_176 : vector<1x1024xf32>
    %add3A_236 = arith.addf %add3A_234, %add3A_235 : vector<1x1024xf32>
    %add3A_237 = arith.addf %add3A_233, %add3A_236 : vector<1x1024xf32>
    %add3A_238 = arith.addf %add3A_230, %add3A_237 : vector<1x1024xf32>
    %add3A_239 = arith.addf %slice3A_177, %slice3A_181 : vector<1x1024xf32>
    %add3A_240 = arith.addf %slice3A_179, %slice3A_183 : vector<1x1024xf32>
    %add3A_241 = arith.addf %add3A_239, %add3A_240 : vector<1x1024xf32>
    %add3A_242 = arith.addf %slice3A_178, %slice3A_182 : vector<1x1024xf32>
    %add3A_243 = arith.addf %slice3A_180, %slice3A_184 : vector<1x1024xf32>
    %add3A_244 = arith.addf %add3A_242, %add3A_243 : vector<1x1024xf32>
    %add3A_245 = arith.addf %add3A_241, %add3A_244 : vector<1x1024xf32>
    %add3A_246 = arith.addf %add3A_238, %add3A_245 : vector<1x1024xf32>
    %swap3A = arith.constant 0 : index
    %swap3A_247 = arith.constant 0 : index
    %swap3A_248 = vector.load %arg7[%swap3A, %swap3A_247] : memref<8x1024xf32, #tpu.memory_space<vmem>>, vector<1x1024xf32>
    tpu.vector_store %arg7[%swap3A, %swap3A_247], %add3A_246 {strides = array<i32>} : memref<8x1024xf32, #tpu.memory_space<vmem>>, vector<1x1024xf32>,
    %transpose3A_249 = tpu.transpose %select_n3A_29, [1, 0] : vector<1024x64xf32> -> vector<64x1024xf32>
    %sub3A_250 = arith.subf %transpose3A, %transpose3A_249 : vector<64x1024xf32>
    %mul3A_251 = arith.mulf %sub3A_250, %sub3A_250 : vector<64x1024xf32>
    %slice3A_252 = vector.extract_strided_slice %mul3A_251 {offsets = [0, 0], sizes = [1, 1024], strides = [1, 1]} : vector<64x1024xf32> to vector<1x1024xf32>
    %slice3A_253 = vector.extract_strided_slice %mul3A_251 {offsets = [1, 0], sizes = [1, 1024], strides = [1, 1]} : vector<64x1024xf32> to vector<1x1024xf32>
    %slice3A_254 = vector.extract_strided_slice %mul3A_251 {offsets = [2, 0], sizes = [1, 1024], strides = [1, 1]} : vector<64x1024xf32> to vector<1x1024xf32>
    %slice3A_255 = vector.extract_strided_slice %mul3A_251 {offsets = [3, 0], sizes = [1, 1024], strides = [1, 1]} : vector<64x1024xf32> to vector<1x1024xf32>
    %slice3A_256 = vector.extract_strided_slice %mul3A_251 {offsets = [4, 0], sizes = [1, 1024], strides = [1, 1]} : vector<64x1024xf32> to vector<1x1024xf32>
    %slice3A_257 = vector.extract_strided_slice %mul3A_251 {offsets = [5, 0], sizes = [1, 1024], strides = [1, 1]} : vector<64x1024xf32> to vector<1x1024xf32>
    %slice3A_258 = vector.extract_strided_slice %mul3A_251 {offsets = [6, 0], sizes = [1, 1024], strides = [1, 1]} : vector<64x1024xf32> to vector<1x1024xf32>
    %slice3A_259 = vector.extract_strided_slice %mul3A_251 {offsets = [7, 0], sizes = [1, 1024], strides = [1, 1]} : vector<64x1024xf32> to vector<1x1024xf32>
    %slice3A_260 = vector.extract_strided_slice %mul3A_251 {offsets = [8, 0], sizes = [1, 1024], strides = [1, 1]} : vector<64x1024xf32> to vector<1x1024xf32>
    %slice3A_261 = vector.extract_strided_slice %mul3A_251 {offsets = [9, 0], sizes = [1, 1024], strides = [1, 1]} : vector<64x1024xf32> to vector<1x1024xf32>
    %slice3A_262 = vector.extract_strided_slice %mul3A_251 {offsets = [10, 0], sizes = [1, 1024], strides = [1, 1]} : vector<64x1024xf32> to vector<1x1024xf32>
    %slice3A_263 = vector.extract_strided_slice %mul3A_251 {offsets = [11, 0], sizes = [1, 1024], strides = [1, 1]} : vector<64x1024xf32> to vector<1x1024xf32>
    %slice3A_264 = vector.extract_strided_slice %mul3A_251 {offsets = [12, 0], sizes = [1, 1024], strides = [1, 1]} : vector<64x1024xf32> to vector<1x1024xf32>
    %slice3A_265 = vector.extract_strided_slice %mul3A_251 {offsets = [13, 0], sizes = [1, 1024], strides = [1, 1]} : vector<64x1024xf32> to vector<1x1024xf32>
    %slice3A_266 = vector.extract_strided_slice %mul3A_251 {offsets = [14, 0], sizes = [1, 1024], strides = [1, 1]} : vector<64x1024xf32> to vector<1x1024xf32>
    %slice3A_267 = vector.extract_strided_slice %mul3A_251 {offsets = [15, 0], sizes = [1, 1024], strides = [1, 1]} : vector<64x1024xf32> to vector<1x1024xf32>
    %slice3A_268 = vector.extract_strided_slice %mul3A_251 {offsets = [16, 0], sizes = [1, 1024], strides = [1, 1]} : vector<64x1024xf32> to vector<1x1024xf32>
    %slice3A_269 = vector.extract_strided_slice %mul3A_251 {offsets = [17, 0], sizes = [1, 1024], strides = [1, 1]} : vector<64x1024xf32> to vector<1x1024xf32>
    %slice3A_270 = vector.extract_strided_slice %mul3A_251 {offsets = [18, 0], sizes = [1, 1024], strides = [1, 1]} : vector<64x1024xf32> to vector<1x1024xf32>
    %slice3A_271 = vector.extract_strided_slice %mul3A_251 {offsets = [19, 0], sizes = [1, 1024], strides = [1, 1]} : vector<64x1024xf32> to vector<1x1024xf32>
    %slice3A_272 = vector.extract_strided_slice %mul3A_251 {offsets = [20, 0], sizes = [1, 1024], strides = [1, 1]} : vector<64x1024xf32> to vector<1x1024xf32>
    %slice3A_273 = vector.extract_strided_slice %mul3A_251 {offsets = [21, 0], sizes = [1, 1024], strides = [1, 1]} : vector<64x1024xf32> to vector<1x1024xf32>
    %slice3A_274 = vector.extract_strided_slice %mul3A_251 {offsets = [22, 0], sizes = [1, 1024], strides = [1, 1]} : vector<64x1024xf32> to vector<1x1024xf32>
    %slice3A_275 = vector.extract_strided_slice %mul3A_251 {offsets = [23, 0], sizes = [1, 1024], strides = [1, 1]} : vector<64x1024xf32> to vector<1x1024xf32>
    %slice3A_276 = vector.extract_strided_slice %mul3A_251 {offsets = [24, 0], sizes = [1, 1024], strides = [1, 1]} : vector<64x1024xf32> to vector<1x1024xf32>
    %slice3A_277 = vector.extract_strided_slice %mul3A_251 {offsets = [25, 0], sizes = [1, 1024], strides = [1, 1]} : vector<64x1024xf32> to vector<1x1024xf32>
    %slice3A_278 = vector.extract_strided_slice %mul3A_251 {offsets = [26, 0], sizes = [1, 1024], strides = [1, 1]} : vector<64x1024xf32> to vector<1x1024xf32>
    %slice3A_279 = vector.extract_strided_slice %mul3A_251 {offsets = [27, 0], sizes = [1, 1024], strides = [1, 1]} : vector<64x1024xf32> to vector<1x1024xf32>
    %slice3A_280 = vector.extract_strided_slice %mul3A_251 {offsets = [28, 0], sizes = [1, 1024], strides = [1, 1]} : vector<64x1024xf32> to vector<1x1024xf32>
    %slice3A_281 = vector.extract_strided_slice %mul3A_251 {offsets = [29, 0], sizes = [1, 1024], strides = [1, 1]} : vector<64x1024xf32> to vector<1x1024xf32>
    %slice3A_282 = vector.extract_strided_slice %mul3A_251 {offsets = [30, 0], sizes = [1, 1024], strides = [1, 1]} : vector<64x1024xf32> to vector<1x1024xf32>
    %slice3A_283 = vector.extract_strided_slice %mul3A_251 {offsets = [31, 0], sizes = [1, 1024], strides = [1, 1]} : vector<64x1024xf32> to vector<1x1024xf32>
    %slice3A_284 = vector.extract_strided_slice %mul3A_251 {offsets = [32, 0], sizes = [1, 1024], strides = [1, 1]} : vector<64x1024xf32> to vector<1x1024xf32>
    %slice3A_285 = vector.extract_strided_slice %mul3A_251 {offsets = [33, 0], sizes = [1, 1024], strides = [1, 1]} : vector<64x1024xf32> to vector<1x1024xf32>
    %slice3A_286 = vector.extract_strided_slice %mul3A_251 {offsets = [34, 0], sizes = [1, 1024], strides = [1, 1]} : vector<64x1024xf32> to vector<1x1024xf32>
    %slice3A_287 = vector.extract_strided_slice %mul3A_251 {offsets = [35, 0], sizes = [1, 1024], strides = [1, 1]} : vector<64x1024xf32> to vector<1x1024xf32>
    %slice3A_288 = vector.extract_strided_slice %mul3A_251 {offsets = [36, 0], sizes = [1, 1024], strides = [1, 1]} : vector<64x1024xf32> to vector<1x1024xf32>
    %slice3A_289 = vector.extract_strided_slice %mul3A_251 {offsets = [37, 0], sizes = [1, 1024], strides = [1, 1]} : vector<64x1024xf32> to vector<1x1024xf32>
    %slice3A_290 = vector.extract_strided_slice %mul3A_251 {offsets = [38, 0], sizes = [1, 1024], strides = [1, 1]} : vector<64x1024xf32> to vector<1x1024xf32>
    %slice3A_291 = vector.extract_strided_slice %mul3A_251 {offsets = [39, 0], sizes = [1, 1024], strides = [1, 1]} : vector<64x1024xf32> to vector<1x1024xf32>
    %slice3A_292 = vector.extract_strided_slice %mul3A_251 {offsets = [40, 0], sizes = [1, 1024], strides = [1, 1]} : vector<64x1024xf32> to vector<1x1024xf32>
    %slice3A_293 = vector.extract_strided_slice %mul3A_251 {offsets = [41, 0], sizes = [1, 1024], strides = [1, 1]} : vector<64x1024xf32> to vector<1x1024xf32>
    %slice3A_294 = vector.extract_strided_slice %mul3A_251 {offsets = [42, 0], sizes = [1, 1024], strides = [1, 1]} : vector<64x1024xf32> to vector<1x1024xf32>
    %slice3A_295 = vector.extract_strided_slice %mul3A_251 {offsets = [43, 0], sizes = [1, 1024], strides = [1, 1]} : vector<64x1024xf32> to vector<1x1024xf32>
    %slice3A_296 = vector.extract_strided_slice %mul3A_251 {offsets = [44, 0], sizes = [1, 1024], strides = [1, 1]} : vector<64x1024xf32> to vector<1x1024xf32>
    %slice3A_297 = vector.extract_strided_slice %mul3A_251 {offsets = [45, 0], sizes = [1, 1024], strides = [1, 1]} : vector<64x1024xf32> to vector<1x1024xf32>
    %slice3A_298 = vector.extract_strided_slice %mul3A_251 {offsets = [46, 0], sizes = [1, 1024], strides = [1, 1]} : vector<64x1024xf32> to vector<1x1024xf32>
    %slice3A_299 = vector.extract_strided_slice %mul3A_251 {offsets = [47, 0], sizes = [1, 1024], strides = [1, 1]} : vector<64x1024xf32> to vector<1x1024xf32>
    %slice3A_300 = vector.extract_strided_slice %mul3A_251 {offsets = [48, 0], sizes = [1, 1024], strides = [1, 1]} : vector<64x1024xf32> to vector<1x1024xf32>
    %slice3A_301 = vector.extract_strided_slice %mul3A_251 {offsets = [49, 0], sizes = [1, 1024], strides = [1, 1]} : vector<64x1024xf32> to vector<1x1024xf32>
    %slice3A_302 = vector.extract_strided_slice %mul3A_251 {offsets = [50, 0], sizes = [1, 1024], strides = [1, 1]} : vector<64x1024xf32> to vector<1x1024xf32>
    %slice3A_303 = vector.extract_strided_slice %mul3A_251 {offsets = [51, 0], sizes = [1, 1024], strides = [1, 1]} : vector<64x1024xf32> to vector<1x1024xf32>
    %slice3A_304 = vector.extract_strided_slice %mul3A_251 {offsets = [52, 0], sizes = [1, 1024], strides = [1, 1]} : vector<64x1024xf32> to vector<1x1024xf32>
    %slice3A_305 = vector.extract_strided_slice %mul3A_251 {offsets = [53, 0], sizes = [1, 1024], strides = [1, 1]} : vector<64x1024xf32> to vector<1x1024xf32>
    %slice3A_306 = vector.extract_strided_slice %mul3A_251 {offsets = [54, 0], sizes = [1, 1024], strides = [1, 1]} : vector<64x1024xf32> to vector<1x1024xf32>
    %slice3A_307 = vector.extract_strided_slice %mul3A_251 {offsets = [55, 0], sizes = [1, 1024], strides = [1, 1]} : vector<64x1024xf32> to vector<1x1024xf32>
    %slice3A_308 = vector.extract_strided_slice %mul3A_251 {offsets = [56, 0], sizes = [1, 1024], strides = [1, 1]} : vector<64x1024xf32> to vector<1x1024xf32>
    %slice3A_309 = vector.extract_strided_slice %mul3A_251 {offsets = [57, 0], sizes = [1, 1024], strides = [1, 1]} : vector<64x1024xf32> to vector<1x1024xf32>
    %slice3A_310 = vector.extract_strided_slice %mul3A_251 {offsets = [58, 0], sizes = [1, 1024], strides = [1, 1]} : vector<64x1024xf32> to vector<1x1024xf32>
    %slice3A_311 = vector.extract_strided_slice %mul3A_251 {offsets = [59, 0], sizes = [1, 1024], strides = [1, 1]} : vector<64x1024xf32> to vector<1x1024xf32>
    %slice3A_312 = vector.extract_strided_slice %mul3A_251 {offsets = [60, 0], sizes = [1, 1024], strides = [1, 1]} : vector<64x1024xf32> to vector<1x1024xf32>
    %slice3A_313 = vector.extract_strided_slice %mul3A_251 {offsets = [61, 0], sizes = [1, 1024], strides = [1, 1]} : vector<64x1024xf32> to vector<1x1024xf32>
    %slice3A_314 = vector.extract_strided_slice %mul3A_251 {offsets = [62, 0], sizes = [1, 1024], strides = [1, 1]} : vector<64x1024xf32> to vector<1x1024xf32>
    %slice3A_315 = vector.extract_strided_slice %mul3A_251 {offsets = [63, 0], sizes = [1, 1024], strides = [1, 1]} : vector<64x1024xf32> to vector<1x1024xf32>
    %add3A_316 = arith.addf %slice3A_252, %slice3A_256 : vector<1x1024xf32>
    %add3A_317 = arith.addf %slice3A_254, %slice3A_258 : vector<1x1024xf32>
    %add3A_318 = arith.addf %add3A_316, %add3A_317 : vector<1x1024xf32>
    %add3A_319 = arith.addf %slice3A_253, %slice3A_257 : vector<1x1024xf32>
    %add3A_320 = arith.addf %slice3A_255, %slice3A_259 : vector<1x1024xf32>
    %add3A_321 = arith.addf %add3A_319, %add3A_320 : vector<1x1024xf32>
    %add3A_322 = arith.addf %add3A_318, %add3A_321 : vector<1x1024xf32>
    %add3A_323 = arith.addf %slice3A_260, %slice3A_264 : vector<1x1024xf32>
    %add3A_324 = arith.addf %slice3A_262, %slice3A_266 : vector<1x1024xf32>
    %add3A_325 = arith.addf %add3A_323, %add3A_324 : vector<1x1024xf32>
    %add3A_326 = arith.addf %slice3A_261, %slice3A_265 : vector<1x1024xf32>
    %add3A_327 = arith.addf %slice3A_263, %slice3A_267 : vector<1x1024xf32>
    %add3A_328 = arith.addf %add3A_326, %add3A_327 : vector<1x1024xf32>
    %add3A_329 = arith.addf %add3A_325, %add3A_328 : vector<1x1024xf32>
    %add3A_330 = arith.addf %add3A_322, %add3A_329 : vector<1x1024xf32>
    %add3A_331 = arith.addf %slice3A_268, %slice3A_272 : vector<1x1024xf32>
    %add3A_332 = arith.addf %slice3A_270, %slice3A_274 : vector<1x1024xf32>
    %add3A_333 = arith.addf %add3A_331, %add3A_332 : vector<1x1024xf32>
    %add3A_334 = arith.addf %slice3A_269, %slice3A_273 : vector<1x1024xf32>
    %add3A_335 = arith.addf %slice3A_271, %slice3A_275 : vector<1x1024xf32>
    %add3A_336 = arith.addf %add3A_334, %add3A_335 : vector<1x1024xf32>
    %add3A_337 = arith.addf %add3A_333, %add3A_336 : vector<1x1024xf32>
    %add3A_338 = arith.addf %add3A_330, %add3A_337 : vector<1x1024xf32>
    %add3A_339 = arith.addf %slice3A_276, %slice3A_280 : vector<1x1024xf32>
    %add3A_340 = arith.addf %slice3A_278, %slice3A_282 : vector<1x1024xf32>
    %add3A_341 = arith.addf %add3A_339, %add3A_340 : vector<1x1024xf32>
    %add3A_342 = arith.addf %slice3A_277, %slice3A_281 : vector<1x1024xf32>
    %add3A_343 = arith.addf %slice3A_279, %slice3A_283 : vector<1x1024xf32>
    %add3A_344 = arith.addf %add3A_342, %add3A_343 : vector<1x1024xf32>
    %add3A_345 = arith.addf %add3A_341, %add3A_344 : vector<1x1024xf32>
    %add3A_346 = arith.addf %add3A_338, %add3A_345 : vector<1x1024xf32>
    %add3A_347 = arith.addf %slice3A_284, %slice3A_288 : vector<1x1024xf32>
    %add3A_348 = arith.addf %slice3A_286, %slice3A_290 : vector<1x1024xf32>
    %add3A_349 = arith.addf %add3A_347, %add3A_348 : vector<1x1024xf32>
    %add3A_350 = arith.addf %slice3A_285, %slice3A_289 : vector<1x1024xf32>
    %add3A_351 = arith.addf %slice3A_287, %slice3A_291 : vector<1x1024xf32>
    %add3A_352 = arith.addf %add3A_350, %add3A_351 : vector<1x1024xf32>
    %add3A_353 = arith.addf %add3A_349, %add3A_352 : vector<1x1024xf32>
    %add3A_354 = arith.addf %add3A_346, %add3A_353 : vector<1x1024xf32>
    %add3A_355 = arith.addf %slice3A_292, %slice3A_296 : vector<1x1024xf32>
    %add3A_356 = arith.addf %slice3A_294, %slice3A_298 : vector<1x1024xf32>
    %add3A_357 = arith.addf %add3A_355, %add3A_356 : vector<1x1024xf32>
    %add3A_358 = arith.addf %slice3A_293, %slice3A_297 : vector<1x1024xf32>
    %add3A_359 = arith.addf %slice3A_295, %slice3A_299 : vector<1x1024xf32>
    %add3A_360 = arith.addf %add3A_358, %add3A_359 : vector<1x1024xf32>
    %add3A_361 = arith.addf %add3A_357, %add3A_360 : vector<1x1024xf32>
    %add3A_362 = arith.addf %add3A_354, %add3A_361 : vector<1x1024xf32>
    %add3A_363 = arith.addf %slice3A_300, %slice3A_304 : vector<1x1024xf32>
    %add3A_364 = arith.addf %slice3A_302, %slice3A_306 : vector<1x1024xf32>
    %add3A_365 = arith.addf %add3A_363, %add3A_364 : vector<1x1024xf32>
    %add3A_366 = arith.addf %slice3A_301, %slice3A_305 : vector<1x1024xf32>
    %add3A_367 = arith.addf %slice3A_303, %slice3A_307 : vector<1x1024xf32>
    %add3A_368 = arith.addf %add3A_366, %add3A_367 : vector<1x1024xf32>
    %add3A_369 = arith.addf %add3A_365, %add3A_368 : vector<1x1024xf32>
    %add3A_370 = arith.addf %add3A_362, %add3A_369 : vector<1x1024xf32>
    %add3A_371 = arith.addf %slice3A_308, %slice3A_312 : vector<1x1024xf32>
    %add3A_372 = arith.addf %slice3A_310, %slice3A_314 : vector<1x1024xf32>
    %add3A_373 = arith.addf %add3A_371, %add3A_372 : vector<1x1024xf32>
    %add3A_374 = arith.addf %slice3A_309, %slice3A_313 : vector<1x1024xf32>
    %add3A_375 = arith.addf %slice3A_311, %slice3A_315 : vector<1x1024xf32>
    %add3A_376 = arith.addf %add3A_374, %add3A_375 : vector<1x1024xf32>
    %add3A_377 = arith.addf %add3A_373, %add3A_376 : vector<1x1024xf32>
    %add3A_378 = arith.addf %add3A_370, %add3A_377 : vector<1x1024xf32>
    %swap3A_379 = arith.constant 1 : index
    %swap3A_380 = arith.constant 0 : index
    %swap3A_381 = vector.load %arg7[%swap3A_379, %swap3A_380] : memref<8x1024xf32, #tpu.memory_space<vmem>>, vector<1x1024xf32>
    tpu.vector_store %arg7[%swap3A_379, %swap3A_380], %add3A_378 {strides = array<i32>} : memref<8x1024xf32, #tpu.memory_space<vmem>>, vector<1x1024xf32>,
    %transpose3A_382 = tpu.transpose %select_n3A_44, [1, 0] : vector<1024x64xf32> -> vector<64x1024xf32>
    %sub3A_383 = arith.subf %transpose3A, %transpose3A_382 : vector<64x1024xf32>
    %mul3A_384 = arith.mulf %sub3A_383, %sub3A_383 : vector<64x1024xf32>
    %slice3A_385 = vector.extract_strided_slice %mul3A_384 {offsets = [0, 0], sizes = [1, 1024], strides = [1, 1]} : vector<64x1024xf32> to vector<1x1024xf32>
    %slice3A_386 = vector.extract_strided_slice %mul3A_384 {offsets = [1, 0], sizes = [1, 1024], strides = [1, 1]} : vector<64x1024xf32> to vector<1x1024xf32>
    %slice3A_387 = vector.extract_strided_slice %mul3A_384 {offsets = [2, 0], sizes = [1, 1024], strides = [1, 1]} : vector<64x1024xf32> to vector<1x1024xf32>
    %slice3A_388 = vector.extract_strided_slice %mul3A_384 {offsets = [3, 0], sizes = [1, 1024], strides = [1, 1]} : vector<64x1024xf32> to vector<1x1024xf32>
    %slice3A_389 = vector.extract_strided_slice %mul3A_384 {offsets = [4, 0], sizes = [1, 1024], strides = [1, 1]} : vector<64x1024xf32> to vector<1x1024xf32>
    %slice3A_390 = vector.extract_strided_slice %mul3A_384 {offsets = [5, 0], sizes = [1, 1024], strides = [1, 1]} : vector<64x1024xf32> to vector<1x1024xf32>
    %slice3A_391 = vector.extract_strided_slice %mul3A_384 {offsets = [6, 0], sizes = [1, 1024], strides = [1, 1]} : vector<64x1024xf32> to vector<1x1024xf32>
    %slice3A_392 = vector.extract_strided_slice %mul3A_384 {offsets = [7, 0], sizes = [1, 1024], strides = [1, 1]} : vector<64x1024xf32> to vector<1x1024xf32>
    %slice3A_393 = vector.extract_strided_slice %mul3A_384 {offsets = [8, 0], sizes = [1, 1024], strides = [1, 1]} : vector<64x1024xf32> to vector<1x1024xf32>
    %slice3A_394 = vector.extract_strided_slice %mul3A_384 {offsets = [9, 0], sizes = [1, 1024], strides = [1, 1]} : vector<64x1024xf32> to vector<1x1024xf32>
    %slice3A_395 = vector.extract_strided_slice %mul3A_384 {offsets = [10, 0], sizes = [1, 1024], strides = [1, 1]} : vector<64x1024xf32> to vector<1x1024xf32>
    %slice3A_396 = vector.extract_strided_slice %mul3A_384 {offsets = [11, 0], sizes = [1, 1024], strides = [1, 1]} : vector<64x1024xf32> to vector<1x1024xf32>
    %slice3A_397 = vector.extract_strided_slice %mul3A_384 {offsets = [12, 0], sizes = [1, 1024], strides = [1, 1]} : vector<64x1024xf32> to vector<1x1024xf32>
    %slice3A_398 = vector.extract_strided_slice %mul3A_384 {offsets = [13, 0], sizes = [1, 1024], strides = [1, 1]} : vector<64x1024xf32> to vector<1x1024xf32>
    %slice3A_399 = vector.extract_strided_slice %mul3A_384 {offsets = [14, 0], sizes = [1, 1024], strides = [1, 1]} : vector<64x1024xf32> to vector<1x1024xf32>
    %slice3A_400 = vector.extract_strided_slice %mul3A_384 {offsets = [15, 0], sizes = [1, 1024], strides = [1, 1]} : vector<64x1024xf32> to vector<1x1024xf32>
    %slice3A_401 = vector.extract_strided_slice %mul3A_384 {offsets = [16, 0], sizes = [1, 1024], strides = [1, 1]} : vector<64x1024xf32> to vector<1x1024xf32>
    %slice3A_402 = vector.extract_strided_slice %mul3A_384 {offsets = [17, 0], sizes = [1, 1024], strides = [1, 1]} : vector<64x1024xf32> to vector<1x1024xf32>
    %slice3A_403 = vector.extract_strided_slice %mul3A_384 {offsets = [18, 0], sizes = [1, 1024], strides = [1, 1]} : vector<64x1024xf32> to vector<1x1024xf32>
    %slice3A_404 = vector.extract_strided_slice %mul3A_384 {offsets = [19, 0], sizes = [1, 1024], strides = [1, 1]} : vector<64x1024xf32> to vector<1x1024xf32>
    %slice3A_405 = vector.extract_strided_slice %mul3A_384 {offsets = [20, 0], sizes = [1, 1024], strides = [1, 1]} : vector<64x1024xf32> to vector<1x1024xf32>
    %slice3A_406 = vector.extract_strided_slice %mul3A_384 {offsets = [21, 0], sizes = [1, 1024], strides = [1, 1]} : vector<64x1024xf32> to vector<1x1024xf32>
    %slice3A_407 = vector.extract_strided_slice %mul3A_384 {offsets = [22, 0], sizes = [1, 1024], strides = [1, 1]} : vector<64x1024xf32> to vector<1x1024xf32>
    %slice3A_408 = vector.extract_strided_slice %mul3A_384 {offsets = [23, 0], sizes = [1, 1024], strides = [1, 1]} : vector<64x1024xf32> to vector<1x1024xf32>
    %slice3A_409 = vector.extract_strided_slice %mul3A_384 {offsets = [24, 0], sizes = [1, 1024], strides = [1, 1]} : vector<64x1024xf32> to vector<1x1024xf32>
    %slice3A_410 = vector.extract_strided_slice %mul3A_384 {offsets = [25, 0], sizes = [1, 1024], strides = [1, 1]} : vector<64x1024xf32> to vector<1x1024xf32>
    %slice3A_411 = vector.extract_strided_slice %mul3A_384 {offsets = [26, 0], sizes = [1, 1024], strides = [1, 1]} : vector<64x1024xf32> to vector<1x1024xf32>
    %slice3A_412 = vector.extract_strided_slice %mul3A_384 {offsets = [27, 0], sizes = [1, 1024], strides = [1, 1]} : vector<64x1024xf32> to vector<1x1024xf32>
    %slice3A_413 = vector.extract_strided_slice %mul3A_384 {offsets = [28, 0], sizes = [1, 1024], strides = [1, 1]} : vector<64x1024xf32> to vector<1x1024xf32>
    %slice3A_414 = vector.extract_strided_slice %mul3A_384 {offsets = [29, 0], sizes = [1, 1024], strides = [1, 1]} : vector<64x1024xf32> to vector<1x1024xf32>
    %slice3A_415 = vector.extract_strided_slice %mul3A_384 {offsets = [30, 0], sizes = [1, 1024], strides = [1, 1]} : vector<64x1024xf32> to vector<1x1024xf32>
    %slice3A_416 = vector.extract_strided_slice %mul3A_384 {offsets = [31, 0], sizes = [1, 1024], strides = [1, 1]} : vector<64x1024xf32> to vector<1x1024xf32>
    %slice3A_417 = vector.extract_strided_slice %mul3A_384 {offsets = [32, 0], sizes = [1, 1024], strides = [1, 1]} : vector<64x1024xf32> to vector<1x1024xf32>
    %slice3A_418 = vector.extract_strided_slice %mul3A_384 {offsets = [33, 0], sizes = [1, 1024], strides = [1, 1]} : vector<64x1024xf32> to vector<1x1024xf32>
    %slice3A_419 = vector.extract_strided_slice %mul3A_384 {offsets = [34, 0], sizes = [1, 1024], strides = [1, 1]} : vector<64x1024xf32> to vector<1x1024xf32>
    %slice3A_420 = vector.extract_strided_slice %mul3A_384 {offsets = [35, 0], sizes = [1, 1024], strides = [1, 1]} : vector<64x1024xf32> to vector<1x1024xf32>
    %slice3A_421 = vector.extract_strided_slice %mul3A_384 {offsets = [36, 0], sizes = [1, 1024], strides = [1, 1]} : vector<64x1024xf32> to vector<1x1024xf32>
    %slice3A_422 = vector.extract_strided_slice %mul3A_384 {offsets = [37, 0], sizes = [1, 1024], strides = [1, 1]} : vector<64x1024xf32> to vector<1x1024xf32>
    %slice3A_423 = vector.extract_strided_slice %mul3A_384 {offsets = [38, 0], sizes = [1, 1024], strides = [1, 1]} : vector<64x1024xf32> to vector<1x1024xf32>
    %slice3A_424 = vector.extract_strided_slice %mul3A_384 {offsets = [39, 0], sizes = [1, 1024], strides = [1, 1]} : vector<64x1024xf32> to vector<1x1024xf32>
    %slice3A_425 = vector.extract_strided_slice %mul3A_384 {offsets = [40, 0], sizes = [1, 1024], strides = [1, 1]} : vector<64x1024xf32> to vector<1x1024xf32>
    %slice3A_426 = vector.extract_strided_slice %mul3A_384 {offsets = [41, 0], sizes = [1, 1024], strides = [1, 1]} : vector<64x1024xf32> to vector<1x1024xf32>
    %slice3A_427 = vector.extract_strided_slice %mul3A_384 {offsets = [42, 0], sizes = [1, 1024], strides = [1, 1]} : vector<64x1024xf32> to vector<1x1024xf32>
    %slice3A_428 = vector.extract_strided_slice %mul3A_384 {offsets = [43, 0], sizes = [1, 1024], strides = [1, 1]} : vector<64x1024xf32> to vector<1x1024xf32>
    %slice3A_429 = vector.extract_strided_slice %mul3A_384 {offsets = [44, 0], sizes = [1, 1024], strides = [1, 1]} : vector<64x1024xf32> to vector<1x1024xf32>
    %slice3A_430 = vector.extract_strided_slice %mul3A_384 {offsets = [45, 0], sizes = [1, 1024], strides = [1, 1]} : vector<64x1024xf32> to vector<1x1024xf32>
    %slice3A_431 = vector.extract_strided_slice %mul3A_384 {offsets = [46, 0], sizes = [1, 1024], strides = [1, 1]} : vector<64x1024xf32> to vector<1x1024xf32>
    %slice3A_432 = vector.extract_strided_slice %mul3A_384 {offsets = [47, 0], sizes = [1, 1024], strides = [1, 1]} : vector<64x1024xf32> to vector<1x1024xf32>
    %slice3A_433 = vector.extract_strided_slice %mul3A_384 {offsets = [48, 0], sizes = [1, 1024], strides = [1, 1]} : vector<64x1024xf32> to vector<1x1024xf32>
    %slice3A_434 = vector.extract_strided_slice %mul3A_384 {offsets = [49, 0], sizes = [1, 1024], strides = [1, 1]} : vector<64x1024xf32> to vector<1x1024xf32>
    %slice3A_435 = vector.extract_strided_slice %mul3A_384 {offsets = [50, 0], sizes = [1, 1024], strides = [1, 1]} : vector<64x1024xf32> to vector<1x1024xf32>
    %slice3A_436 = vector.extract_strided_slice %mul3A_384 {offsets = [51, 0], sizes = [1, 1024], strides = [1, 1]} : vector<64x1024xf32> to vector<1x1024xf32>
    %slice3A_437 = vector.extract_strided_slice %mul3A_384 {offsets = [52, 0], sizes = [1, 1024], strides = [1, 1]} : vector<64x1024xf32> to vector<1x1024xf32>
    %slice3A_438 = vector.extract_strided_slice %mul3A_384 {offsets = [53, 0], sizes = [1, 1024], strides = [1, 1]} : vector<64x1024xf32> to vector<1x1024xf32>
    %slice3A_439 = vector.extract_strided_slice %mul3A_384 {offsets = [54, 0], sizes = [1, 1024], strides = [1, 1]} : vector<64x1024xf32> to vector<1x1024xf32>
    %slice3A_440 = vector.extract_strided_slice %mul3A_384 {offsets = [55, 0], sizes = [1, 1024], strides = [1, 1]} : vector<64x1024xf32> to vector<1x1024xf32>
    %slice3A_441 = vector.extract_strided_slice %mul3A_384 {offsets = [56, 0], sizes = [1, 1024], strides = [1, 1]} : vector<64x1024xf32> to vector<1x1024xf32>
    %slice3A_442 = vector.extract_strided_slice %mul3A_384 {offsets = [57, 0], sizes = [1, 1024], strides = [1, 1]} : vector<64x1024xf32> to vector<1x1024xf32>
    %slice3A_443 = vector.extract_strided_slice %mul3A_384 {offsets = [58, 0], sizes = [1, 1024], strides = [1, 1]} : vector<64x1024xf32> to vector<1x1024xf32>
    %slice3A_444 = vector.extract_strided_slice %mul3A_384 {offsets = [59, 0], sizes = [1, 1024], strides = [1, 1]} : vector<64x1024xf32> to vector<1x1024xf32>
    %slice3A_445 = vector.extract_strided_slice %mul3A_384 {offsets = [60, 0], sizes = [1, 1024], strides = [1, 1]} : vector<64x1024xf32> to vector<1x1024xf32>
    %slice3A_446 = vector.extract_strided_slice %mul3A_384 {offsets = [61, 0], sizes = [1, 1024], strides = [1, 1]} : vector<64x1024xf32> to vector<1x1024xf32>
    %slice3A_447 = vector.extract_strided_slice %mul3A_384 {offsets = [62, 0], sizes = [1, 1024], strides = [1, 1]} : vector<64x1024xf32> to vector<1x1024xf32>
    %slice3A_448 = vector.extract_strided_slice %mul3A_384 {offsets = [63, 0], sizes = [1, 1024], strides = [1, 1]} : vector<64x1024xf32> to vector<1x1024xf32>
    %add3A_449 = arith.addf %slice3A_385, %slice3A_389 : vector<1x1024xf32>
    %add3A_450 = arith.addf %slice3A_387, %slice3A_391 : vector<1x1024xf32>
    %add3A_451 = arith.addf %add3A_449, %add3A_450 : vector<1x1024xf32>
    %add3A_452 = arith.addf %slice3A_386, %slice3A_390 : vector<1x1024xf32>
    %add3A_453 = arith.addf %slice3A_388, %slice3A_392 : vector<1x1024xf32>
    %add3A_454 = arith.addf %add3A_452, %add3A_453 : vector<1x1024xf32>
    %add3A_455 = arith.addf %add3A_451, %add3A_454 : vector<1x1024xf32>
    %add3A_456 = arith.addf %slice3A_393, %slice3A_397 : vector<1x1024xf32>
    %add3A_457 = arith.addf %slice3A_395, %slice3A_399 : vector<1x1024xf32>
    %add3A_458 = arith.addf %add3A_456, %add3A_457 : vector<1x1024xf32>
    %add3A_459 = arith.addf %slice3A_394, %slice3A_398 : vector<1x1024xf32>
    %add3A_460 = arith.addf %slice3A_396, %slice3A_400 : vector<1x1024xf32>
    %add3A_461 = arith.addf %add3A_459, %add3A_460 : vector<1x1024xf32>
    %add3A_462 = arith.addf %add3A_458, %add3A_461 : vector<1x1024xf32>
    %add3A_463 = arith.addf %add3A_455, %add3A_462 : vector<1x1024xf32>
    %add3A_464 = arith.addf %slice3A_401, %slice3A_405 : vector<1x1024xf32>
    %add3A_465 = arith.addf %slice3A_403, %slice3A_407 : vector<1x1024xf32>
    %add3A_466 = arith.addf %add3A_464, %add3A_465 : vector<1x1024xf32>
    %add3A_467 = arith.addf %slice3A_402, %slice3A_406 : vector<1x1024xf32>
    %add3A_468 = arith.addf %slice3A_404, %slice3A_408 : vector<1x1024xf32>
    %add3A_469 = arith.addf %add3A_467, %add3A_468 : vector<1x1024xf32>
    %add3A_470 = arith.addf %add3A_466, %add3A_469 : vector<1x1024xf32>
    %add3A_471 = arith.addf %add3A_463, %add3A_470 : vector<1x1024xf32>
    %add3A_472 = arith.addf %slice3A_409, %slice3A_413 : vector<1x1024xf32>
    %add3A_473 = arith.addf %slice3A_411, %slice3A_415 : vector<1x1024xf32>
    %add3A_474 = arith.addf %add3A_472, %add3A_473 : vector<1x1024xf32>
    %add3A_475 = arith.addf %slice3A_410, %slice3A_414 : vector<1x1024xf32>
    %add3A_476 = arith.addf %slice3A_412, %slice3A_416 : vector<1x1024xf32>
    %add3A_477 = arith.addf %add3A_475, %add3A_476 : vector<1x1024xf32>
    %add3A_478 = arith.addf %add3A_474, %add3A_477 : vector<1x1024xf32>
    %add3A_479 = arith.addf %add3A_471, %add3A_478 : vector<1x1024xf32>
    %add3A_480 = arith.addf %slice3A_417, %slice3A_421 : vector<1x1024xf32>
    %add3A_481 = arith.addf %slice3A_419, %slice3A_423 : vector<1x1024xf32>
    %add3A_482 = arith.addf %add3A_480, %add3A_481 : vector<1x1024xf32>
    %add3A_483 = arith.addf %slice3A_418, %slice3A_422 : vector<1x1024xf32>
    %add3A_484 = arith.addf %slice3A_420, %slice3A_424 : vector<1x1024xf32>
    %add3A_485 = arith.addf %add3A_483, %add3A_484 : vector<1x1024xf32>
    %add3A_486 = arith.addf %add3A_482, %add3A_485 : vector<1x1024xf32>
    %add3A_487 = arith.addf %add3A_479, %add3A_486 : vector<1x1024xf32>
    %add3A_488 = arith.addf %slice3A_425, %slice3A_429 : vector<1x1024xf32>
    %add3A_489 = arith.addf %slice3A_427, %slice3A_431 : vector<1x1024xf32>
    %add3A_490 = arith.addf %add3A_488, %add3A_489 : vector<1x1024xf32>
    %add3A_491 = arith.addf %slice3A_426, %slice3A_430 : vector<1x1024xf32>
    %add3A_492 = arith.addf %slice3A_428, %slice3A_432 : vector<1x1024xf32>
    %add3A_493 = arith.addf %add3A_491, %add3A_492 : vector<1x1024xf32>
    %add3A_494 = arith.addf %add3A_490, %add3A_493 : vector<1x1024xf32>
    %add3A_495 = arith.addf %add3A_487, %add3A_494 : vector<1x1024xf32>
    %add3A_496 = arith.addf %slice3A_433, %slice3A_437 : vector<1x1024xf32>
    %add3A_497 = arith.addf %slice3A_435, %slice3A_439 : vector<1x1024xf32>
    %add3A_498 = arith.addf %add3A_496, %add3A_497 : vector<1x1024xf32>
    %add3A_499 = arith.addf %slice3A_434, %slice3A_438 : vector<1x1024xf32>
    %add3A_500 = arith.addf %slice3A_436, %slice3A_440 : vector<1x1024xf32>
    %add3A_501 = arith.addf %add3A_499, %add3A_500 : vector<1x1024xf32>
    %add3A_502 = arith.addf %add3A_498, %add3A_501 : vector<1x1024xf32>
    %add3A_503 = arith.addf %add3A_495, %add3A_502 : vector<1x1024xf32>
    %add3A_504 = arith.addf %slice3A_441, %slice3A_445 : vector<1x1024xf32>
    %add3A_505 = arith.addf %slice3A_443, %slice3A_447 : vector<1x1024xf32>
    %add3A_506 = arith.addf %add3A_504, %add3A_505 : vector<1x1024xf32>
    %add3A_507 = arith.addf %slice3A_442, %slice3A_446 : vector<1x1024xf32>
    %add3A_508 = arith.addf %slice3A_444, %slice3A_448 : vector<1x1024xf32>
    %add3A_509 = arith.addf %add3A_507, %add3A_508 : vector<1x1024xf32>
    %add3A_510 = arith.addf %add3A_506, %add3A_509 : vector<1x1024xf32>
    %add3A_511 = arith.addf %add3A_503, %add3A_510 : vector<1x1024xf32>
    %swap3A_512 = arith.constant 2 : index
    %swap3A_513 = arith.constant 0 : index
    %swap3A_514 = vector.load %arg7[%swap3A_512, %swap3A_513] : memref<8x1024xf32, #tpu.memory_space<vmem>>, vector<1x1024xf32>
    tpu.vector_store %arg7[%swap3A_512, %swap3A_513], %add3A_511 {strides = array<i32>} : memref<8x1024xf32, #tpu.memory_space<vmem>>, vector<1x1024xf32>,
    %transpose3A_515 = tpu.transpose %select_n3A_59, [1, 0] : vector<1024x64xf32> -> vector<64x1024xf32>
    %sub3A_516 = arith.subf %transpose3A, %transpose3A_515 : vector<64x1024xf32>
    %mul3A_517 = arith.mulf %sub3A_516, %sub3A_516 : vector<64x1024xf32>
    %slice3A_518 = vector.extract_strided_slice %mul3A_517 {offsets = [0, 0], sizes = [1, 1024], strides = [1, 1]} : vector<64x1024xf32> to vector<1x1024xf32>
    %slice3A_519 = vector.extract_strided_slice %mul3A_517 {offsets = [1, 0], sizes = [1, 1024], strides = [1, 1]} : vector<64x1024xf32> to vector<1x1024xf32>
    %slice3A_520 = vector.extract_strided_slice %mul3A_517 {offsets = [2, 0], sizes = [1, 1024], strides = [1, 1]} : vector<64x1024xf32> to vector<1x1024xf32>
    %slice3A_521 = vector.extract_strided_slice %mul3A_517 {offsets = [3, 0], sizes = [1, 1024], strides = [1, 1]} : vector<64x1024xf32> to vector<1x1024xf32>
    %slice3A_522 = vector.extract_strided_slice %mul3A_517 {offsets = [4, 0], sizes = [1, 1024], strides = [1, 1]} : vector<64x1024xf32> to vector<1x1024xf32>
    %slice3A_523 = vector.extract_strided_slice %mul3A_517 {offsets = [5, 0], sizes = [1, 1024], strides = [1, 1]} : vector<64x1024xf32> to vector<1x1024xf32>
    %slice3A_524 = vector.extract_strided_slice %mul3A_517 {offsets = [6, 0], sizes = [1, 1024], strides = [1, 1]} : vector<64x1024xf32> to vector<1x1024xf32>
    %slice3A_525 = vector.extract_strided_slice %mul3A_517 {offsets = [7, 0], sizes = [1, 1024], strides = [1, 1]} : vector<64x1024xf32> to vector<1x1024xf32>
    %slice3A_526 = vector.extract_strided_slice %mul3A_517 {offsets = [8, 0], sizes = [1, 1024], strides = [1, 1]} : vector<64x1024xf32> to vector<1x1024xf32>
    %slice3A_527 = vector.extract_strided_slice %mul3A_517 {offsets = [9, 0], sizes = [1, 1024], strides = [1, 1]} : vector<64x1024xf32> to vector<1x1024xf32>
    %slice3A_528 = vector.extract_strided_slice %mul3A_517 {offsets = [10, 0], sizes = [1, 1024], strides = [1, 1]} : vector<64x1024xf32> to vector<1x1024xf32>
    %slice3A_529 = vector.extract_strided_slice %mul3A_517 {offsets = [11, 0], sizes = [1, 1024], strides = [1, 1]} : vector<64x1024xf32> to vector<1x1024xf32>
    %slice3A_530 = vector.extract_strided_slice %mul3A_517 {offsets = [12, 0], sizes = [1, 1024], strides = [1, 1]} : vector<64x1024xf32> to vector<1x1024xf32>
    %slice3A_531 = vector.extract_strided_slice %mul3A_517 {offsets = [13, 0], sizes = [1, 1024], strides = [1, 1]} : vector<64x1024xf32> to vector<1x1024xf32>
    %slice3A_532 = vector.extract_strided_slice %mul3A_517 {offsets = [14, 0], sizes = [1, 1024], strides = [1, 1]} : vector<64x1024xf32> to vector<1x1024xf32>
    %slice3A_533 = vector.extract_strided_slice %mul3A_517 {offsets = [15, 0], sizes = [1, 1024], strides = [1, 1]} : vector<64x1024xf32> to vector<1x1024xf32>
    %slice3A_534 = vector.extract_strided_slice %mul3A_517 {offsets = [16, 0], sizes = [1, 1024], strides = [1, 1]} : vector<64x1024xf32> to vector<1x1024xf32>
    %slice3A_535 = vector.extract_strided_slice %mul3A_517 {offsets = [17, 0], sizes = [1, 1024], strides = [1, 1]} : vector<64x1024xf32> to vector<1x1024xf32>
    %slice3A_536 = vector.extract_strided_slice %mul3A_517 {offsets = [18, 0], sizes = [1, 1024], strides = [1, 1]} : vector<64x1024xf32> to vector<1x1024xf32>
    %slice3A_537 = vector.extract_strided_slice %mul3A_517 {offsets = [19, 0], sizes = [1, 1024], strides = [1, 1]} : vector<64x1024xf32> to vector<1x1024xf32>
    %slice3A_538 = vector.extract_strided_slice %mul3A_517 {offsets = [20, 0], sizes = [1, 1024], strides = [1, 1]} : vector<64x1024xf32> to vector<1x1024xf32>
    %slice3A_539 = vector.extract_strided_slice %mul3A_517 {offsets = [21, 0], sizes = [1, 1024], strides = [1, 1]} : vector<64x1024xf32> to vector<1x1024xf32>
    %slice3A_540 = vector.extract_strided_slice %mul3A_517 {offsets = [22, 0], sizes = [1, 1024], strides = [1, 1]} : vector<64x1024xf32> to vector<1x1024xf32>
    %slice3A_541 = vector.extract_strided_slice %mul3A_517 {offsets = [23, 0], sizes = [1, 1024], strides = [1, 1]} : vector<64x1024xf32> to vector<1x1024xf32>
    %slice3A_542 = vector.extract_strided_slice %mul3A_517 {offsets = [24, 0], sizes = [1, 1024], strides = [1, 1]} : vector<64x1024xf32> to vector<1x1024xf32>
    %slice3A_543 = vector.extract_strided_slice %mul3A_517 {offsets = [25, 0], sizes = [1, 1024], strides = [1, 1]} : vector<64x1024xf32> to vector<1x1024xf32>
    %slice3A_544 = vector.extract_strided_slice %mul3A_517 {offsets = [26, 0], sizes = [1, 1024], strides = [1, 1]} : vector<64x1024xf32> to vector<1x1024xf32>
    %slice3A_545 = vector.extract_strided_slice %mul3A_517 {offsets = [27, 0], sizes = [1, 1024], strides = [1, 1]} : vector<64x1024xf32> to vector<1x1024xf32>
    %slice3A_546 = vector.extract_strided_slice %mul3A_517 {offsets = [28, 0], sizes = [1, 1024], strides = [1, 1]} : vector<64x1024xf32> to vector<1x1024xf32>
    %slice3A_547 = vector.extract_strided_slice %mul3A_517 {offsets = [29, 0], sizes = [1, 1024], strides = [1, 1]} : vector<64x1024xf32> to vector<1x1024xf32>
    %slice3A_548 = vector.extract_strided_slice %mul3A_517 {offsets = [30, 0], sizes = [1, 1024], strides = [1, 1]} : vector<64x1024xf32> to vector<1x1024xf32>
    %slice3A_549 = vector.extract_strided_slice %mul3A_517 {offsets = [31, 0], sizes = [1, 1024], strides = [1, 1]} : vector<64x1024xf32> to vector<1x1024xf32>
    %slice3A_550 = vector.extract_strided_slice %mul3A_517 {offsets = [32, 0], sizes = [1, 1024], strides = [1, 1]} : vector<64x1024xf32> to vector<1x1024xf32>
    %slice3A_551 = vector.extract_strided_slice %mul3A_517 {offsets = [33, 0], sizes = [1, 1024], strides = [1, 1]} : vector<64x1024xf32> to vector<1x1024xf32>
    %slice3A_552 = vector.extract_strided_slice %mul3A_517 {offsets = [34, 0], sizes = [1, 1024], strides = [1, 1]} : vector<64x1024xf32> to vector<1x1024xf32>
    %slice3A_553 = vector.extract_strided_slice %mul3A_517 {offsets = [35, 0], sizes = [1, 1024], strides = [1, 1]} : vector<64x1024xf32> to vector<1x1024xf32>
    %slice3A_554 = vector.extract_strided_slice %mul3A_517 {offsets = [36, 0], sizes = [1, 1024], strides = [1, 1]} : vector<64x1024xf32> to vector<1x1024xf32>
    %slice3A_555 = vector.extract_strided_slice %mul3A_517 {offsets = [37, 0], sizes = [1, 1024], strides = [1, 1]} : vector<64x1024xf32> to vector<1x1024xf32>
    %slice3A_556 = vector.extract_strided_slice %mul3A_517 {offsets = [38, 0], sizes = [1, 1024], strides = [1, 1]} : vector<64x1024xf32> to vector<1x1024xf32>
    %slice3A_557 = vector.extract_strided_slice %mul3A_517 {offsets = [39, 0], sizes = [1, 1024], strides = [1, 1]} : vector<64x1024xf32> to vector<1x1024xf32>
    %slice3A_558 = vector.extract_strided_slice %mul3A_517 {offsets = [40, 0], sizes = [1, 1024], strides = [1, 1]} : vector<64x1024xf32> to vector<1x1024xf32>
    %slice3A_559 = vector.extract_strided_slice %mul3A_517 {offsets = [41, 0], sizes = [1, 1024], strides = [1, 1]} : vector<64x1024xf32> to vector<1x1024xf32>
    %slice3A_560 = vector.extract_strided_slice %mul3A_517 {offsets = [42, 0], sizes = [1, 1024], strides = [1, 1]} : vector<64x1024xf32> to vector<1x1024xf32>
    %slice3A_561 = vector.extract_strided_slice %mul3A_517 {offsets = [43, 0], sizes = [1, 1024], strides = [1, 1]} : vector<64x1024xf32> to vector<1x1024xf32>
    %slice3A_562 = vector.extract_strided_slice %mul3A_517 {offsets = [44, 0], sizes = [1, 1024], strides = [1, 1]} : vector<64x1024xf32> to vector<1x1024xf32>
    %slice3A_563 = vector.extract_strided_slice %mul3A_517 {offsets = [45, 0], sizes = [1, 1024], strides = [1, 1]} : vector<64x1024xf32> to vector<1x1024xf32>
    %slice3A_564 = vector.extract_strided_slice %mul3A_517 {offsets = [46, 0], sizes = [1, 1024], strides = [1, 1]} : vector<64x1024xf32> to vector<1x1024xf32>
    %slice3A_565 = vector.extract_strided_slice %mul3A_517 {offsets = [47, 0], sizes = [1, 1024], strides = [1, 1]} : vector<64x1024xf32> to vector<1x1024xf32>
    %slice3A_566 = vector.extract_strided_slice %mul3A_517 {offsets = [48, 0], sizes = [1, 1024], strides = [1, 1]} : vector<64x1024xf32> to vector<1x1024xf32>
    %slice3A_567 = vector.extract_strided_slice %mul3A_517 {offsets = [49, 0], sizes = [1, 1024], strides = [1, 1]} : vector<64x1024xf32> to vector<1x1024xf32>
    %slice3A_568 = vector.extract_strided_slice %mul3A_517 {offsets = [50, 0], sizes = [1, 1024], strides = [1, 1]} : vector<64x1024xf32> to vector<1x1024xf32>
    %slice3A_569 = vector.extract_strided_slice %mul3A_517 {offsets = [51, 0], sizes = [1, 1024], strides = [1, 1]} : vector<64x1024xf32> to vector<1x1024xf32>
    %slice3A_570 = vector.extract_strided_slice %mul3A_517 {offsets = [52, 0], sizes = [1, 1024], strides = [1, 1]} : vector<64x1024xf32> to vector<1x1024xf32>
    %slice3A_571 = vector.extract_strided_slice %mul3A_517 {offsets = [53, 0], sizes = [1, 1024], strides = [1, 1]} : vector<64x1024xf32> to vector<1x1024xf32>
    %slice3A_572 = vector.extract_strided_slice %mul3A_517 {offsets = [54, 0], sizes = [1, 1024], strides = [1, 1]} : vector<64x1024xf32> to vector<1x1024xf32>
    %slice3A_573 = vector.extract_strided_slice %mul3A_517 {offsets = [55, 0], sizes = [1, 1024], strides = [1, 1]} : vector<64x1024xf32> to vector<1x1024xf32>
    %slice3A_574 = vector.extract_strided_slice %mul3A_517 {offsets = [56, 0], sizes = [1, 1024], strides = [1, 1]} : vector<64x1024xf32> to vector<1x1024xf32>
    %slice3A_575 = vector.extract_strided_slice %mul3A_517 {offsets = [57, 0], sizes = [1, 1024], strides = [1, 1]} : vector<64x1024xf32> to vector<1x1024xf32>
    %slice3A_576 = vector.extract_strided_slice %mul3A_517 {offsets = [58, 0], sizes = [1, 1024], strides = [1, 1]} : vector<64x1024xf32> to vector<1x1024xf32>
    %slice3A_577 = vector.extract_strided_slice %mul3A_517 {offsets = [59, 0], sizes = [1, 1024], strides = [1, 1]} : vector<64x1024xf32> to vector<1x1024xf32>
    %slice3A_578 = vector.extract_strided_slice %mul3A_517 {offsets = [60, 0], sizes = [1, 1024], strides = [1, 1]} : vector<64x1024xf32> to vector<1x1024xf32>
    %slice3A_579 = vector.extract_strided_slice %mul3A_517 {offsets = [61, 0], sizes = [1, 1024], strides = [1, 1]} : vector<64x1024xf32> to vector<1x1024xf32>
    %slice3A_580 = vector.extract_strided_slice %mul3A_517 {offsets = [62, 0], sizes = [1, 1024], strides = [1, 1]} : vector<64x1024xf32> to vector<1x1024xf32>
    %slice3A_581 = vector.extract_strided_slice %mul3A_517 {offsets = [63, 0], sizes = [1, 1024], strides = [1, 1]} : vector<64x1024xf32> to vector<1x1024xf32>
    %add3A_582 = arith.addf %slice3A_518, %slice3A_522 : vector<1x1024xf32>
    %add3A_583 = arith.addf %slice3A_520, %slice3A_524 : vector<1x1024xf32>
    %add3A_584 = arith.addf %add3A_582, %add3A_583 : vector<1x1024xf32>
    %add3A_585 = arith.addf %slice3A_519, %slice3A_523 : vector<1x1024xf32>
    %add3A_586 = arith.addf %slice3A_521, %slice3A_525 : vector<1x1024xf32>
    %add3A_587 = arith.addf %add3A_585, %add3A_586 : vector<1x1024xf32>
    %add3A_588 = arith.addf %add3A_584, %add3A_587 : vector<1x1024xf32>
    %add3A_589 = arith.addf %slice3A_526, %slice3A_530 : vector<1x1024xf32>
    %add3A_590 = arith.addf %slice3A_528, %slice3A_532 : vector<1x1024xf32>
    %add3A_591 = arith.addf %add3A_589, %add3A_590 : vector<1x1024xf32>
    %add3A_592 = arith.addf %slice3A_527, %slice3A_531 : vector<1x1024xf32>
    %add3A_593 = arith.addf %slice3A_529, %slice3A_533 : vector<1x1024xf32>
    %add3A_594 = arith.addf %add3A_592, %add3A_593 : vector<1x1024xf32>
    %add3A_595 = arith.addf %add3A_591, %add3A_594 : vector<1x1024xf32>
    %add3A_596 = arith.addf %add3A_588, %add3A_595 : vector<1x1024xf32>
    %add3A_597 = arith.addf %slice3A_534, %slice3A_538 : vector<1x1024xf32>
    %add3A_598 = arith.addf %slice3A_536, %slice3A_540 : vector<1x1024xf32>
    %add3A_599 = arith.addf %add3A_597, %add3A_598 : vector<1x1024xf32>
    %add3A_600 = arith.addf %slice3A_535, %slice3A_539 : vector<1x1024xf32>
    %add3A_601 = arith.addf %slice3A_537, %slice3A_541 : vector<1x1024xf32>
    %add3A_602 = arith.addf %add3A_600, %add3A_601 : vector<1x1024xf32>
    %add3A_603 = arith.addf %add3A_599, %add3A_602 : vector<1x1024xf32>
    %add3A_604 = arith.addf %add3A_596, %add3A_603 : vector<1x1024xf32>
    %add3A_605 = arith.addf %slice3A_542, %slice3A_546 : vector<1x1024xf32>
    %add3A_606 = arith.addf %slice3A_544, %slice3A_548 : vector<1x1024xf32>
    %add3A_607 = arith.addf %add3A_605, %add3A_606 : vector<1x1024xf32>
    %add3A_608 = arith.addf %slice3A_543, %slice3A_547 : vector<1x1024xf32>
    %add3A_609 = arith.addf %slice3A_545, %slice3A_549 : vector<1x1024xf32>
    %add3A_610 = arith.addf %add3A_608, %add3A_609 : vector<1x1024xf32>
    %add3A_611 = arith.addf %add3A_607, %add3A_610 : vector<1x1024xf32>
    %add3A_612 = arith.addf %add3A_604, %add3A_611 : vector<1x1024xf32>
    %add3A_613 = arith.addf %slice3A_550, %slice3A_554 : vector<1x1024xf32>
    %add3A_614 = arith.addf %slice3A_552, %slice3A_556 : vector<1x1024xf32>
    %add3A_615 = arith.addf %add3A_613, %add3A_614 : vector<1x1024xf32>
    %add3A_616 = arith.addf %slice3A_551, %slice3A_555 : vector<1x1024xf32>
    %add3A_617 = arith.addf %slice3A_553, %slice3A_557 : vector<1x1024xf32>
    %add3A_618 = arith.addf %add3A_616, %add3A_617 : vector<1x1024xf32>
    %add3A_619 = arith.addf %add3A_615, %add3A_618 : vector<1x1024xf32>
    %add3A_620 = arith.addf %add3A_612, %add3A_619 : vector<1x1024xf32>
    %add3A_621 = arith.addf %slice3A_558, %slice3A_562 : vector<1x1024xf32>
    %add3A_622 = arith.addf %slice3A_560, %slice3A_564 : vector<1x1024xf32>
    %add3A_623 = arith.addf %add3A_621, %add3A_622 : vector<1x1024xf32>
    %add3A_624 = arith.addf %slice3A_559, %slice3A_563 : vector<1x1024xf32>
    %add3A_625 = arith.addf %slice3A_561, %slice3A_565 : vector<1x1024xf32>
    %add3A_626 = arith.addf %add3A_624, %add3A_625 : vector<1x1024xf32>
    %add3A_627 = arith.addf %add3A_623, %add3A_626 : vector<1x1024xf32>
    %add3A_628 = arith.addf %add3A_620, %add3A_627 : vector<1x1024xf32>
    %add3A_629 = arith.addf %slice3A_566, %slice3A_570 : vector<1x1024xf32>
    %add3A_630 = arith.addf %slice3A_568, %slice3A_572 : vector<1x1024xf32>
    %add3A_631 = arith.addf %add3A_629, %add3A_630 : vector<1x1024xf32>
    %add3A_632 = arith.addf %slice3A_567, %slice3A_571 : vector<1x1024xf32>
    %add3A_633 = arith.addf %slice3A_569, %slice3A_573 : vector<1x1024xf32>
    %add3A_634 = arith.addf %add3A_632, %add3A_633 : vector<1x1024xf32>
    %add3A_635 = arith.addf %add3A_631, %add3A_634 : vector<1x1024xf32>
    %add3A_636 = arith.addf %add3A_628, %add3A_635 : vector<1x1024xf32>
    %add3A_637 = arith.addf %slice3A_574, %slice3A_578 : vector<1x1024xf32>
    %add3A_638 = arith.addf %slice3A_576, %slice3A_580 : vector<1x1024xf32>
    %add3A_639 = arith.addf %add3A_637, %add3A_638 : vector<1x1024xf32>
    %add3A_640 = arith.addf %slice3A_575, %slice3A_579 : vector<1x1024xf32>
    %add3A_641 = arith.addf %slice3A_577, %slice3A_581 : vector<1x1024xf32>
    %add3A_642 = arith.addf %add3A_640, %add3A_641 : vector<1x1024xf32>
    %add3A_643 = arith.addf %add3A_639, %add3A_642 : vector<1x1024xf32>
    %add3A_644 = arith.addf %add3A_636, %add3A_643 : vector<1x1024xf32>
    %swap3A_645 = arith.constant 3 : index
    %swap3A_646 = arith.constant 0 : index
    %swap3A_647 = vector.load %arg7[%swap3A_645, %swap3A_646] : memref<8x1024xf32, #tpu.memory_space<vmem>>, vector<1x1024xf32>
    tpu.vector_store %arg7[%swap3A_645, %swap3A_646], %add3A_644 {strides = array<i32>} : memref<8x1024xf32, #tpu.memory_space<vmem>>, vector<1x1024xf32>,
    %transpose3A_648 = tpu.transpose %select_n3A_74, [1, 0] : vector<1024x64xf32> -> vector<64x1024xf32>
    %sub3A_649 = arith.subf %transpose3A, %transpose3A_648 : vector<64x1024xf32>
    %mul3A_650 = arith.mulf %sub3A_649, %sub3A_649 : vector<64x1024xf32>
    %slice3A_651 = vector.extract_strided_slice %mul3A_650 {offsets = [0, 0], sizes = [1, 1024], strides = [1, 1]} : vector<64x1024xf32> to vector<1x1024xf32>
    %slice3A_652 = vector.extract_strided_slice %mul3A_650 {offsets = [1, 0], sizes = [1, 1024], strides = [1, 1]} : vector<64x1024xf32> to vector<1x1024xf32>
    %slice3A_653 = vector.extract_strided_slice %mul3A_650 {offsets = [2, 0], sizes = [1, 1024], strides = [1, 1]} : vector<64x1024xf32> to vector<1x1024xf32>
    %slice3A_654 = vector.extract_strided_slice %mul3A_650 {offsets = [3, 0], sizes = [1, 1024], strides = [1, 1]} : vector<64x1024xf32> to vector<1x1024xf32>
    %slice3A_655 = vector.extract_strided_slice %mul3A_650 {offsets = [4, 0], sizes = [1, 1024], strides = [1, 1]} : vector<64x1024xf32> to vector<1x1024xf32>
    %slice3A_656 = vector.extract_strided_slice %mul3A_650 {offsets = [5, 0], sizes = [1, 1024], strides = [1, 1]} : vector<64x1024xf32> to vector<1x1024xf32>
    %slice3A_657 = vector.extract_strided_slice %mul3A_650 {offsets = [6, 0], sizes = [1, 1024], strides = [1, 1]} : vector<64x1024xf32> to vector<1x1024xf32>
    %slice3A_658 = vector.extract_strided_slice %mul3A_650 {offsets = [7, 0], sizes = [1, 1024], strides = [1, 1]} : vector<64x1024xf32> to vector<1x1024xf32>
    %slice3A_659 = vector.extract_strided_slice %mul3A_650 {offsets = [8, 0], sizes = [1, 1024], strides = [1, 1]} : vector<64x1024xf32> to vector<1x1024xf32>
    %slice3A_660 = vector.extract_strided_slice %mul3A_650 {offsets = [9, 0], sizes = [1, 1024], strides = [1, 1]} : vector<64x1024xf32> to vector<1x1024xf32>
    %slice3A_661 = vector.extract_strided_slice %mul3A_650 {offsets = [10, 0], sizes = [1, 1024], strides = [1, 1]} : vector<64x1024xf32> to vector<1x1024xf32>
    %slice3A_662 = vector.extract_strided_slice %mul3A_650 {offsets = [11, 0], sizes = [1, 1024], strides = [1, 1]} : vector<64x1024xf32> to vector<1x1024xf32>
    %slice3A_663 = vector.extract_strided_slice %mul3A_650 {offsets = [12, 0], sizes = [1, 1024], strides = [1, 1]} : vector<64x1024xf32> to vector<1x1024xf32>
    %slice3A_664 = vector.extract_strided_slice %mul3A_650 {offsets = [13, 0], sizes = [1, 1024], strides = [1, 1]} : vector<64x1024xf32> to vector<1x1024xf32>
    %slice3A_665 = vector.extract_strided_slice %mul3A_650 {offsets = [14, 0], sizes = [1, 1024], strides = [1, 1]} : vector<64x1024xf32> to vector<1x1024xf32>
    %slice3A_666 = vector.extract_strided_slice %mul3A_650 {offsets = [15, 0], sizes = [1, 1024], strides = [1, 1]} : vector<64x1024xf32> to vector<1x1024xf32>
    %slice3A_667 = vector.extract_strided_slice %mul3A_650 {offsets = [16, 0], sizes = [1, 1024], strides = [1, 1]} : vector<64x1024xf32> to vector<1x1024xf32>
    %slice3A_668 = vector.extract_strided_slice %mul3A_650 {offsets = [17, 0], sizes = [1, 1024], strides = [1, 1]} : vector<64x1024xf32> to vector<1x1024xf32>
    %slice3A_669 = vector.extract_strided_slice %mul3A_650 {offsets = [18, 0], sizes = [1, 1024], strides = [1, 1]} : vector<64x1024xf32> to vector<1x1024xf32>
    %slice3A_670 = vector.extract_strided_slice %mul3A_650 {offsets = [19, 0], sizes = [1, 1024], strides = [1, 1]} : vector<64x1024xf32> to vector<1x1024xf32>
    %slice3A_671 = vector.extract_strided_slice %mul3A_650 {offsets = [20, 0], sizes = [1, 1024], strides = [1, 1]} : vector<64x1024xf32> to vector<1x1024xf32>
    %slice3A_672 = vector.extract_strided_slice %mul3A_650 {offsets = [21, 0], sizes = [1, 1024], strides = [1, 1]} : vector<64x1024xf32> to vector<1x1024xf32>
    %slice3A_673 = vector.extract_strided_slice %mul3A_650 {offsets = [22, 0], sizes = [1, 1024], strides = [1, 1]} : vector<64x1024xf32> to vector<1x1024xf32>
    %slice3A_674 = vector.extract_strided_slice %mul3A_650 {offsets = [23, 0], sizes = [1, 1024], strides = [1, 1]} : vector<64x1024xf32> to vector<1x1024xf32>
    %slice3A_675 = vector.extract_strided_slice %mul3A_650 {offsets = [24, 0], sizes = [1, 1024], strides = [1, 1]} : vector<64x1024xf32> to vector<1x1024xf32>
    %slice3A_676 = vector.extract_strided_slice %mul3A_650 {offsets = [25, 0], sizes = [1, 1024], strides = [1, 1]} : vector<64x1024xf32> to vector<1x1024xf32>
    %slice3A_677 = vector.extract_strided_slice %mul3A_650 {offsets = [26, 0], sizes = [1, 1024], strides = [1, 1]} : vector<64x1024xf32> to vector<1x1024xf32>
    %slice3A_678 = vector.extract_strided_slice %mul3A_650 {offsets = [27, 0], sizes = [1, 1024], strides = [1, 1]} : vector<64x1024xf32> to vector<1x1024xf32>
    %slice3A_679 = vector.extract_strided_slice %mul3A_650 {offsets = [28, 0], sizes = [1, 1024], strides = [1, 1]} : vector<64x1024xf32> to vector<1x1024xf32>
    %slice3A_680 = vector.extract_strided_slice %mul3A_650 {offsets = [29, 0], sizes = [1, 1024], strides = [1, 1]} : vector<64x1024xf32> to vector<1x1024xf32>
    %slice3A_681 = vector.extract_strided_slice %mul3A_650 {offsets = [30, 0], sizes = [1, 1024], strides = [1, 1]} : vector<64x1024xf32> to vector<1x1024xf32>
    %slice3A_682 = vector.extract_strided_slice %mul3A_650 {offsets = [31, 0], sizes = [1, 1024], strides = [1, 1]} : vector<64x1024xf32> to vector<1x1024xf32>
    %slice3A_683 = vector.extract_strided_slice %mul3A_650 {offsets = [32, 0], sizes = [1, 1024], strides = [1, 1]} : vector<64x1024xf32> to vector<1x1024xf32>
    %slice3A_684 = vector.extract_strided_slice %mul3A_650 {offsets = [33, 0], sizes = [1, 1024], strides = [1, 1]} : vector<64x1024xf32> to vector<1x1024xf32>
    %slice3A_685 = vector.extract_strided_slice %mul3A_650 {offsets = [34, 0], sizes = [1, 1024], strides = [1, 1]} : vector<64x1024xf32> to vector<1x1024xf32>
    %slice3A_686 = vector.extract_strided_slice %mul3A_650 {offsets = [35, 0], sizes = [1, 1024], strides = [1, 1]} : vector<64x1024xf32> to vector<1x1024xf32>
    %slice3A_687 = vector.extract_strided_slice %mul3A_650 {offsets = [36, 0], sizes = [1, 1024], strides = [1, 1]} : vector<64x1024xf32> to vector<1x1024xf32>
    %slice3A_688 = vector.extract_strided_slice %mul3A_650 {offsets = [37, 0], sizes = [1, 1024], strides = [1, 1]} : vector<64x1024xf32> to vector<1x1024xf32>
    %slice3A_689 = vector.extract_strided_slice %mul3A_650 {offsets = [38, 0], sizes = [1, 1024], strides = [1, 1]} : vector<64x1024xf32> to vector<1x1024xf32>
    %slice3A_690 = vector.extract_strided_slice %mul3A_650 {offsets = [39, 0], sizes = [1, 1024], strides = [1, 1]} : vector<64x1024xf32> to vector<1x1024xf32>
    %slice3A_691 = vector.extract_strided_slice %mul3A_650 {offsets = [40, 0], sizes = [1, 1024], strides = [1, 1]} : vector<64x1024xf32> to vector<1x1024xf32>
    %slice3A_692 = vector.extract_strided_slice %mul3A_650 {offsets = [41, 0], sizes = [1, 1024], strides = [1, 1]} : vector<64x1024xf32> to vector<1x1024xf32>
    %slice3A_693 = vector.extract_strided_slice %mul3A_650 {offsets = [42, 0], sizes = [1, 1024], strides = [1, 1]} : vector<64x1024xf32> to vector<1x1024xf32>
    %slice3A_694 = vector.extract_strided_slice %mul3A_650 {offsets = [43, 0], sizes = [1, 1024], strides = [1, 1]} : vector<64x1024xf32> to vector<1x1024xf32>
    %slice3A_695 = vector.extract_strided_slice %mul3A_650 {offsets = [44, 0], sizes = [1, 1024], strides = [1, 1]} : vector<64x1024xf32> to vector<1x1024xf32>
    %slice3A_696 = vector.extract_strided_slice %mul3A_650 {offsets = [45, 0], sizes = [1, 1024], strides = [1, 1]} : vector<64x1024xf32> to vector<1x1024xf32>
    %slice3A_697 = vector.extract_strided_slice %mul3A_650 {offsets = [46, 0], sizes = [1, 1024], strides = [1, 1]} : vector<64x1024xf32> to vector<1x1024xf32>
    %slice3A_698 = vector.extract_strided_slice %mul3A_650 {offsets = [47, 0], sizes = [1, 1024], strides = [1, 1]} : vector<64x1024xf32> to vector<1x1024xf32>
    %slice3A_699 = vector.extract_strided_slice %mul3A_650 {offsets = [48, 0], sizes = [1, 1024], strides = [1, 1]} : vector<64x1024xf32> to vector<1x1024xf32>
    %slice3A_700 = vector.extract_strided_slice %mul3A_650 {offsets = [49, 0], sizes = [1, 1024], strides = [1, 1]} : vector<64x1024xf32> to vector<1x1024xf32>
    %slice3A_701 = vector.extract_strided_slice %mul3A_650 {offsets = [50, 0], sizes = [1, 1024], strides = [1, 1]} : vector<64x1024xf32> to vector<1x1024xf32>
    %slice3A_702 = vector.extract_strided_slice %mul3A_650 {offsets = [51, 0], sizes = [1, 1024], strides = [1, 1]} : vector<64x1024xf32> to vector<1x1024xf32>
    %slice3A_703 = vector.extract_strided_slice %mul3A_650 {offsets = [52, 0], sizes = [1, 1024], strides = [1, 1]} : vector<64x1024xf32> to vector<1x1024xf32>
    %slice3A_704 = vector.extract_strided_slice %mul3A_650 {offsets = [53, 0], sizes = [1, 1024], strides = [1, 1]} : vector<64x1024xf32> to vector<1x1024xf32>
    %slice3A_705 = vector.extract_strided_slice %mul3A_650 {offsets = [54, 0], sizes = [1, 1024], strides = [1, 1]} : vector<64x1024xf32> to vector<1x1024xf32>
    %slice3A_706 = vector.extract_strided_slice %mul3A_650 {offsets = [55, 0], sizes = [1, 1024], strides = [1, 1]} : vector<64x1024xf32> to vector<1x1024xf32>
    %slice3A_707 = vector.extract_strided_slice %mul3A_650 {offsets = [56, 0], sizes = [1, 1024], strides = [1, 1]} : vector<64x1024xf32> to vector<1x1024xf32>
    %slice3A_708 = vector.extract_strided_slice %mul3A_650 {offsets = [57, 0], sizes = [1, 1024], strides = [1, 1]} : vector<64x1024xf32> to vector<1x1024xf32>
    %slice3A_709 = vector.extract_strided_slice %mul3A_650 {offsets = [58, 0], sizes = [1, 1024], strides = [1, 1]} : vector<64x1024xf32> to vector<1x1024xf32>
    %slice3A_710 = vector.extract_strided_slice %mul3A_650 {offsets = [59, 0], sizes = [1, 1024], strides = [1, 1]} : vector<64x1024xf32> to vector<1x1024xf32>
    %slice3A_711 = vector.extract_strided_slice %mul3A_650 {offsets = [60, 0], sizes = [1, 1024], strides = [1, 1]} : vector<64x1024xf32> to vector<1x1024xf32>
    %slice3A_712 = vector.extract_strided_slice %mul3A_650 {offsets = [61, 0], sizes = [1, 1024], strides = [1, 1]} : vector<64x1024xf32> to vector<1x1024xf32>
    %slice3A_713 = vector.extract_strided_slice %mul3A_650 {offsets = [62, 0], sizes = [1, 1024], strides = [1, 1]} : vector<64x1024xf32> to vector<1x1024xf32>
    %slice3A_714 = vector.extract_strided_slice %mul3A_650 {offsets = [63, 0], sizes = [1, 1024], strides = [1, 1]} : vector<64x1024xf32> to vector<1x1024xf32>
    %add3A_715 = arith.addf %slice3A_651, %slice3A_655 : vector<1x1024xf32>
    %add3A_716 = arith.addf %slice3A_653, %slice3A_657 : vector<1x1024xf32>
    %add3A_717 = arith.addf %add3A_715, %add3A_716 : vector<1x1024xf32>
    %add3A_718 = arith.addf %slice3A_652, %slice3A_656 : vector<1x1024xf32>
    %add3A_719 = arith.addf %slice3A_654, %slice3A_658 : vector<1x1024xf32>
    %add3A_720 = arith.addf %add3A_718, %add3A_719 : vector<1x1024xf32>
    %add3A_721 = arith.addf %add3A_717, %add3A_720 : vector<1x1024xf32>
    %add3A_722 = arith.addf %slice3A_659, %slice3A_663 : vector<1x1024xf32>
    %add3A_723 = arith.addf %slice3A_661, %slice3A_665 : vector<1x1024xf32>
    %add3A_724 = arith.addf %add3A_722, %add3A_723 : vector<1x1024xf32>
    %add3A_725 = arith.addf %slice3A_660, %slice3A_664 : vector<1x1024xf32>
    %add3A_726 = arith.addf %slice3A_662, %slice3A_666 : vector<1x1024xf32>
    %add3A_727 = arith.addf %add3A_725, %add3A_726 : vector<1x1024xf32>
    %add3A_728 = arith.addf %add3A_724, %add3A_727 : vector<1x1024xf32>
    %add3A_729 = arith.addf %add3A_721, %add3A_728 : vector<1x1024xf32>
    %add3A_730 = arith.addf %slice3A_667, %slice3A_671 : vector<1x1024xf32>
    %add3A_731 = arith.addf %slice3A_669, %slice3A_673 : vector<1x1024xf32>
    %add3A_732 = arith.addf %add3A_730, %add3A_731 : vector<1x1024xf32>
    %add3A_733 = arith.addf %slice3A_668, %slice3A_672 : vector<1x1024xf32>
    %add3A_734 = arith.addf %slice3A_670, %slice3A_674 : vector<1x1024xf32>
    %add3A_735 = arith.addf %add3A_733, %add3A_734 : vector<1x1024xf32>
    %add3A_736 = arith.addf %add3A_732, %add3A_735 : vector<1x1024xf32>
    %add3A_737 = arith.addf %add3A_729, %add3A_736 : vector<1x1024xf32>
    %add3A_738 = arith.addf %slice3A_675, %slice3A_679 : vector<1x1024xf32>
    %add3A_739 = arith.addf %slice3A_677, %slice3A_681 : vector<1x1024xf32>
    %add3A_740 = arith.addf %add3A_738, %add3A_739 : vector<1x1024xf32>
    %add3A_741 = arith.addf %slice3A_676, %slice3A_680 : vector<1x1024xf32>
    %add3A_742 = arith.addf %slice3A_678, %slice3A_682 : vector<1x1024xf32>
    %add3A_743 = arith.addf %add3A_741, %add3A_742 : vector<1x1024xf32>
    %add3A_744 = arith.addf %add3A_740, %add3A_743 : vector<1x1024xf32>
    %add3A_745 = arith.addf %add3A_737, %add3A_744 : vector<1x1024xf32>
    %add3A_746 = arith.addf %slice3A_683, %slice3A_687 : vector<1x1024xf32>
    %add3A_747 = arith.addf %slice3A_685, %slice3A_689 : vector<1x1024xf32>
    %add3A_748 = arith.addf %add3A_746, %add3A_747 : vector<1x1024xf32>
    %add3A_749 = arith.addf %slice3A_684, %slice3A_688 : vector<1x1024xf32>
    %add3A_750 = arith.addf %slice3A_686, %slice3A_690 : vector<1x1024xf32>
    %add3A_751 = arith.addf %add3A_749, %add3A_750 : vector<1x1024xf32>
    %add3A_752 = arith.addf %add3A_748, %add3A_751 : vector<1x1024xf32>
    %add3A_753 = arith.addf %add3A_745, %add3A_752 : vector<1x1024xf32>
    %add3A_754 = arith.addf %slice3A_691, %slice3A_695 : vector<1x1024xf32>
    %add3A_755 = arith.addf %slice3A_693, %slice3A_697 : vector<1x1024xf32>
    %add3A_756 = arith.addf %add3A_754, %add3A_755 : vector<1x1024xf32>
    %add3A_757 = arith.addf %slice3A_692, %slice3A_696 : vector<1x1024xf32>
    %add3A_758 = arith.addf %slice3A_694, %slice3A_698 : vector<1x1024xf32>
    %add3A_759 = arith.addf %add3A_757, %add3A_758 : vector<1x1024xf32>
    %add3A_760 = arith.addf %add3A_756, %add3A_759 : vector<1x1024xf32>
    %add3A_761 = arith.addf %add3A_753, %add3A_760 : vector<1x1024xf32>
    %add3A_762 = arith.addf %slice3A_699, %slice3A_703 : vector<1x1024xf32>
    %add3A_763 = arith.addf %slice3A_701, %slice3A_705 : vector<1x1024xf32>
    %add3A_764 = arith.addf %add3A_762, %add3A_763 : vector<1x1024xf32>
    %add3A_765 = arith.addf %slice3A_700, %slice3A_704 : vector<1x1024xf32>
    %add3A_766 = arith.addf %slice3A_702, %slice3A_706 : vector<1x1024xf32>
    %add3A_767 = arith.addf %add3A_765, %add3A_766 : vector<1x1024xf32>
    %add3A_768 = arith.addf %add3A_764, %add3A_767 : vector<1x1024xf32>
    %add3A_769 = arith.addf %add3A_761, %add3A_768 : vector<1x1024xf32>
    %add3A_770 = arith.addf %slice3A_707, %slice3A_711 : vector<1x1024xf32>
    %add3A_771 = arith.addf %slice3A_709, %slice3A_713 : vector<1x1024xf32>
    %add3A_772 = arith.addf %add3A_770, %add3A_771 : vector<1x1024xf32>
    %add3A_773 = arith.addf %slice3A_708, %slice3A_712 : vector<1x1024xf32>
    %add3A_774 = arith.addf %slice3A_710, %slice3A_714 : vector<1x1024xf32>
    %add3A_775 = arith.addf %add3A_773, %add3A_774 : vector<1x1024xf32>
    %add3A_776 = arith.addf %add3A_772, %add3A_775 : vector<1x1024xf32>
    %add3A_777 = arith.addf %add3A_769, %add3A_776 : vector<1x1024xf32>
    %swap3A_778 = arith.constant 4 : index
    %swap3A_779 = arith.constant 0 : index
    %swap3A_780 = vector.load %arg7[%swap3A_778, %swap3A_779] : memref<8x1024xf32, #tpu.memory_space<vmem>>, vector<1x1024xf32>
    tpu.vector_store %arg7[%swap3A_778, %swap3A_779], %add3A_777 {strides = array<i32>} : memref<8x1024xf32, #tpu.memory_space<vmem>>, vector<1x1024xf32>,
    %transpose3A_781 = tpu.transpose %select_n3A_89, [1, 0] : vector<1024x64xf32> -> vector<64x1024xf32>
    %sub3A_782 = arith.subf %transpose3A, %transpose3A_781 : vector<64x1024xf32>
    %mul3A_783 = arith.mulf %sub3A_782, %sub3A_782 : vector<64x1024xf32>
    %slice3A_784 = vector.extract_strided_slice %mul3A_783 {offsets = [0, 0], sizes = [1, 1024], strides = [1, 1]} : vector<64x1024xf32> to vector<1x1024xf32>
    %slice3A_785 = vector.extract_strided_slice %mul3A_783 {offsets = [1, 0], sizes = [1, 1024], strides = [1, 1]} : vector<64x1024xf32> to vector<1x1024xf32>
    %slice3A_786 = vector.extract_strided_slice %mul3A_783 {offsets = [2, 0], sizes = [1, 1024], strides = [1, 1]} : vector<64x1024xf32> to vector<1x1024xf32>
    %slice3A_787 = vector.extract_strided_slice %mul3A_783 {offsets = [3, 0], sizes = [1, 1024], strides = [1, 1]} : vector<64x1024xf32> to vector<1x1024xf32>
    %slice3A_788 = vector.extract_strided_slice %mul3A_783 {offsets = [4, 0], sizes = [1, 1024], strides = [1, 1]} : vector<64x1024xf32> to vector<1x1024xf32>
    %slice3A_789 = vector.extract_strided_slice %mul3A_783 {offsets = [5, 0], sizes = [1, 1024], strides = [1, 1]} : vector<64x1024xf32> to vector<1x1024xf32>
    %slice3A_790 = vector.extract_strided_slice %mul3A_783 {offsets = [6, 0], sizes = [1, 1024], strides = [1, 1]} : vector<64x1024xf32> to vector<1x1024xf32>
    %slice3A_791 = vector.extract_strided_slice %mul3A_783 {offsets = [7, 0], sizes = [1, 1024], strides = [1, 1]} : vector<64x1024xf32> to vector<1x1024xf32>
    %slice3A_792 = vector.extract_strided_slice %mul3A_783 {offsets = [8, 0], sizes = [1, 1024], strides = [1, 1]} : vector<64x1024xf32> to vector<1x1024xf32>
    %slice3A_793 = vector.extract_strided_slice %mul3A_783 {offsets = [9, 0], sizes = [1, 1024], strides = [1, 1]} : vector<64x1024xf32> to vector<1x1024xf32>
    %slice3A_794 = vector.extract_strided_slice %mul3A_783 {offsets = [10, 0], sizes = [1, 1024], strides = [1, 1]} : vector<64x1024xf32> to vector<1x1024xf32>
    %slice3A_795 = vector.extract_strided_slice %mul3A_783 {offsets = [11, 0], sizes = [1, 1024], strides = [1, 1]} : vector<64x1024xf32> to vector<1x1024xf32>
    %slice3A_796 = vector.extract_strided_slice %mul3A_783 {offsets = [12, 0], sizes = [1, 1024], strides = [1, 1]} : vector<64x1024xf32> to vector<1x1024xf32>
    %slice3A_797 = vector.extract_strided_slice %mul3A_783 {offsets = [13, 0], sizes = [1, 1024], strides = [1, 1]} : vector<64x1024xf32> to vector<1x1024xf32>
    %slice3A_798 = vector.extract_strided_slice %mul3A_783 {offsets = [14, 0], sizes = [1, 1024], strides = [1, 1]} : vector<64x1024xf32> to vector<1x1024xf32>
    %slice3A_799 = vector.extract_strided_slice %mul3A_783 {offsets = [15, 0], sizes = [1, 1024], strides = [1, 1]} : vector<64x1024xf32> to vector<1x1024xf32>
    %slice3A_800 = vector.extract_strided_slice %mul3A_783 {offsets = [16, 0], sizes = [1, 1024], strides = [1, 1]} : vector<64x1024xf32> to vector<1x1024xf32>
    %slice3A_801 = vector.extract_strided_slice %mul3A_783 {offsets = [17, 0], sizes = [1, 1024], strides = [1, 1]} : vector<64x1024xf32> to vector<1x1024xf32>
    %slice3A_802 = vector.extract_strided_slice %mul3A_783 {offsets = [18, 0], sizes = [1, 1024], strides = [1, 1]} : vector<64x1024xf32> to vector<1x1024xf32>
    %slice3A_803 = vector.extract_strided_slice %mul3A_783 {offsets = [19, 0], sizes = [1, 1024], strides = [1, 1]} : vector<64x1024xf32> to vector<1x1024xf32>
    %slice3A_804 = vector.extract_strided_slice %mul3A_783 {offsets = [20, 0], sizes = [1, 1024], strides = [1, 1]} : vector<64x1024xf32> to vector<1x1024xf32>
    %slice3A_805 = vector.extract_strided_slice %mul3A_783 {offsets = [21, 0], sizes = [1, 1024], strides = [1, 1]} : vector<64x1024xf32> to vector<1x1024xf32>
    %slice3A_806 = vector.extract_strided_slice %mul3A_783 {offsets = [22, 0], sizes = [1, 1024], strides = [1, 1]} : vector<64x1024xf32> to vector<1x1024xf32>
    %slice3A_807 = vector.extract_strided_slice %mul3A_783 {offsets = [23, 0], sizes = [1, 1024], strides = [1, 1]} : vector<64x1024xf32> to vector<1x1024xf32>
    %slice3A_808 = vector.extract_strided_slice %mul3A_783 {offsets = [24, 0], sizes = [1, 1024], strides = [1, 1]} : vector<64x1024xf32> to vector<1x1024xf32>
    %slice3A_809 = vector.extract_strided_slice %mul3A_783 {offsets = [25, 0], sizes = [1, 1024], strides = [1, 1]} : vector<64x1024xf32> to vector<1x1024xf32>
    %slice3A_810 = vector.extract_strided_slice %mul3A_783 {offsets = [26, 0], sizes = [1, 1024], strides = [1, 1]} : vector<64x1024xf32> to vector<1x1024xf32>
    %slice3A_811 = vector.extract_strided_slice %mul3A_783 {offsets = [27, 0], sizes = [1, 1024], strides = [1, 1]} : vector<64x1024xf32> to vector<1x1024xf32>
    %slice3A_812 = vector.extract_strided_slice %mul3A_783 {offsets = [28, 0], sizes = [1, 1024], strides = [1, 1]} : vector<64x1024xf32> to vector<1x1024xf32>
    %slice3A_813 = vector.extract_strided_slice %mul3A_783 {offsets = [29, 0], sizes = [1, 1024], strides = [1, 1]} : vector<64x1024xf32> to vector<1x1024xf32>
    %slice3A_814 = vector.extract_strided_slice %mul3A_783 {offsets = [30, 0], sizes = [1, 1024], strides = [1, 1]} : vector<64x1024xf32> to vector<1x1024xf32>
    %slice3A_815 = vector.extract_strided_slice %mul3A_783 {offsets = [31, 0], sizes = [1, 1024], strides = [1, 1]} : vector<64x1024xf32> to vector<1x1024xf32>
    %slice3A_816 = vector.extract_strided_slice %mul3A_783 {offsets = [32, 0], sizes = [1, 1024], strides = [1, 1]} : vector<64x1024xf32> to vector<1x1024xf32>
    %slice3A_817 = vector.extract_strided_slice %mul3A_783 {offsets = [33, 0], sizes = [1, 1024], strides = [1, 1]} : vector<64x1024xf32> to vector<1x1024xf32>
    %slice3A_818 = vector.extract_strided_slice %mul3A_783 {offsets = [34, 0], sizes = [1, 1024], strides = [1, 1]} : vector<64x1024xf32> to vector<1x1024xf32>
    %slice3A_819 = vector.extract_strided_slice %mul3A_783 {offsets = [35, 0], sizes = [1, 1024], strides = [1, 1]} : vector<64x1024xf32> to vector<1x1024xf32>
    %slice3A_820 = vector.extract_strided_slice %mul3A_783 {offsets = [36, 0], sizes = [1, 1024], strides = [1, 1]} : vector<64x1024xf32> to vector<1x1024xf32>
    %slice3A_821 = vector.extract_strided_slice %mul3A_783 {offsets = [37, 0], sizes = [1, 1024], strides = [1, 1]} : vector<64x1024xf32> to vector<1x1024xf32>
    %slice3A_822 = vector.extract_strided_slice %mul3A_783 {offsets = [38, 0], sizes = [1, 1024], strides = [1, 1]} : vector<64x1024xf32> to vector<1x1024xf32>
    %slice3A_823 = vector.extract_strided_slice %mul3A_783 {offsets = [39, 0], sizes = [1, 1024], strides = [1, 1]} : vector<64x1024xf32> to vector<1x1024xf32>
    %slice3A_824 = vector.extract_strided_slice %mul3A_783 {offsets = [40, 0], sizes = [1, 1024], strides = [1, 1]} : vector<64x1024xf32> to vector<1x1024xf32>
    %slice3A_825 = vector.extract_strided_slice %mul3A_783 {offsets = [41, 0], sizes = [1, 1024], strides = [1, 1]} : vector<64x1024xf32> to vector<1x1024xf32>
    %slice3A_826 = vector.extract_strided_slice %mul3A_783 {offsets = [42, 0], sizes = [1, 1024], strides = [1, 1]} : vector<64x1024xf32> to vector<1x1024xf32>
    %slice3A_827 = vector.extract_strided_slice %mul3A_783 {offsets = [43, 0], sizes = [1, 1024], strides = [1, 1]} : vector<64x1024xf32> to vector<1x1024xf32>
    %slice3A_828 = vector.extract_strided_slice %mul3A_783 {offsets = [44, 0], sizes = [1, 1024], strides = [1, 1]} : vector<64x1024xf32> to vector<1x1024xf32>
    %slice3A_829 = vector.extract_strided_slice %mul3A_783 {offsets = [45, 0], sizes = [1, 1024], strides = [1, 1]} : vector<64x1024xf32> to vector<1x1024xf32>
    %slice3A_830 = vector.extract_strided_slice %mul3A_783 {offsets = [46, 0], sizes = [1, 1024], strides = [1, 1]} : vector<64x1024xf32> to vector<1x1024xf32>
    %slice3A_831 = vector.extract_strided_slice %mul3A_783 {offsets = [47, 0], sizes = [1, 1024], strides = [1, 1]} : vector<64x1024xf32> to vector<1x1024xf32>
    %slice3A_832 = vector.extract_strided_slice %mul3A_783 {offsets = [48, 0], sizes = [1, 1024], strides = [1, 1]} : vector<64x1024xf32> to vector<1x1024xf32>
    %slice3A_833 = vector.extract_strided_slice %mul3A_783 {offsets = [49, 0], sizes = [1, 1024], strides = [1, 1]} : vector<64x1024xf32> to vector<1x1024xf32>
    %slice3A_834 = vector.extract_strided_slice %mul3A_783 {offsets = [50, 0], sizes = [1, 1024], strides = [1, 1]} : vector<64x1024xf32> to vector<1x1024xf32>
    %slice3A_835 = vector.extract_strided_slice %mul3A_783 {offsets = [51, 0], sizes = [1, 1024], strides = [1, 1]} : vector<64x1024xf32> to vector<1x1024xf32>
    %slice3A_836 = vector.extract_strided_slice %mul3A_783 {offsets = [52, 0], sizes = [1, 1024], strides = [1, 1]} : vector<64x1024xf32> to vector<1x1024xf32>
    %slice3A_837 = vector.extract_strided_slice %mul3A_783 {offsets = [53, 0], sizes = [1, 1024], strides = [1, 1]} : vector<64x1024xf32> to vector<1x1024xf32>
    %slice3A_838 = vector.extract_strided_slice %mul3A_783 {offsets = [54, 0], sizes = [1, 1024], strides = [1, 1]} : vector<64x1024xf32> to vector<1x1024xf32>
    %slice3A_839 = vector.extract_strided_slice %mul3A_783 {offsets = [55, 0], sizes = [1, 1024], strides = [1, 1]} : vector<64x1024xf32> to vector<1x1024xf32>
    %slice3A_840 = vector.extract_strided_slice %mul3A_783 {offsets = [56, 0], sizes = [1, 1024], strides = [1, 1]} : vector<64x1024xf32> to vector<1x1024xf32>
    %slice3A_841 = vector.extract_strided_slice %mul3A_783 {offsets = [57, 0], sizes = [1, 1024], strides = [1, 1]} : vector<64x1024xf32> to vector<1x1024xf32>
    %slice3A_842 = vector.extract_strided_slice %mul3A_783 {offsets = [58, 0], sizes = [1, 1024], strides = [1, 1]} : vector<64x1024xf32> to vector<1x1024xf32>
    %slice3A_843 = vector.extract_strided_slice %mul3A_783 {offsets = [59, 0], sizes = [1, 1024], strides = [1, 1]} : vector<64x1024xf32> to vector<1x1024xf32>
    %slice3A_844 = vector.extract_strided_slice %mul3A_783 {offsets = [60, 0], sizes = [1, 1024], strides = [1, 1]} : vector<64x1024xf32> to vector<1x1024xf32>
    %slice3A_845 = vector.extract_strided_slice %mul3A_783 {offsets = [61, 0], sizes = [1, 1024], strides = [1, 1]} : vector<64x1024xf32> to vector<1x1024xf32>
    %slice3A_846 = vector.extract_strided_slice %mul3A_783 {offsets = [62, 0], sizes = [1, 1024], strides = [1, 1]} : vector<64x1024xf32> to vector<1x1024xf32>
    %slice3A_847 = vector.extract_strided_slice %mul3A_783 {offsets = [63, 0], sizes = [1, 1024], strides = [1, 1]} : vector<64x1024xf32> to vector<1x1024xf32>
    %add3A_848 = arith.addf %slice3A_784, %slice3A_788 : vector<1x1024xf32>
    %add3A_849 = arith.addf %slice3A_786, %slice3A_790 : vector<1x1024xf32>
    %add3A_850 = arith.addf %add3A_848, %add3A_849 : vector<1x1024xf32>
    %add3A_851 = arith.addf %slice3A_785, %slice3A_789 : vector<1x1024xf32>
    %add3A_852 = arith.addf %slice3A_787, %slice3A_791 : vector<1x1024xf32>
    %add3A_853 = arith.addf %add3A_851, %add3A_852 : vector<1x1024xf32>
    %add3A_854 = arith.addf %add3A_850, %add3A_853 : vector<1x1024xf32>
    %add3A_855 = arith.addf %slice3A_792, %slice3A_796 : vector<1x1024xf32>
    %add3A_856 = arith.addf %slice3A_794, %slice3A_798 : vector<1x1024xf32>
    %add3A_857 = arith.addf %add3A_855, %add3A_856 : vector<1x1024xf32>
    %add3A_858 = arith.addf %slice3A_793, %slice3A_797 : vector<1x1024xf32>
    %add3A_859 = arith.addf %slice3A_795, %slice3A_799 : vector<1x1024xf32>
    %add3A_860 = arith.addf %add3A_858, %add3A_859 : vector<1x1024xf32>
    %add3A_861 = arith.addf %add3A_857, %add3A_860 : vector<1x1024xf32>
    %add3A_862 = arith.addf %add3A_854, %add3A_861 : vector<1x1024xf32>
    %add3A_863 = arith.addf %slice3A_800, %slice3A_804 : vector<1x1024xf32>
    %add3A_864 = arith.addf %slice3A_802, %slice3A_806 : vector<1x1024xf32>
    %add3A_865 = arith.addf %add3A_863, %add3A_864 : vector<1x1024xf32>
    %add3A_866 = arith.addf %slice3A_801, %slice3A_805 : vector<1x1024xf32>
    %add3A_867 = arith.addf %slice3A_803, %slice3A_807 : vector<1x1024xf32>
    %add3A_868 = arith.addf %add3A_866, %add3A_867 : vector<1x1024xf32>
    %add3A_869 = arith.addf %add3A_865, %add3A_868 : vector<1x1024xf32>
    %add3A_870 = arith.addf %add3A_862, %add3A_869 : vector<1x1024xf32>
    %add3A_871 = arith.addf %slice3A_808, %slice3A_812 : vector<1x1024xf32>
    %add3A_872 = arith.addf %slice3A_810, %slice3A_814 : vector<1x1024xf32>
    %add3A_873 = arith.addf %add3A_871, %add3A_872 : vector<1x1024xf32>
    %add3A_874 = arith.addf %slice3A_809, %slice3A_813 : vector<1x1024xf32>
    %add3A_875 = arith.addf %slice3A_811, %slice3A_815 : vector<1x1024xf32>
    %add3A_876 = arith.addf %add3A_874, %add3A_875 : vector<1x1024xf32>
    %add3A_877 = arith.addf %add3A_873, %add3A_876 : vector<1x1024xf32>
    %add3A_878 = arith.addf %add3A_870, %add3A_877 : vector<1x1024xf32>
    %add3A_879 = arith.addf %slice3A_816, %slice3A_820 : vector<1x1024xf32>
    %add3A_880 = arith.addf %slice3A_818, %slice3A_822 : vector<1x1024xf32>
    %add3A_881 = arith.addf %add3A_879, %add3A_880 : vector<1x1024xf32>
    %add3A_882 = arith.addf %slice3A_817, %slice3A_821 : vector<1x1024xf32>
    %add3A_883 = arith.addf %slice3A_819, %slice3A_823 : vector<1x1024xf32>
    %add3A_884 = arith.addf %add3A_882, %add3A_883 : vector<1x1024xf32>
    %add3A_885 = arith.addf %add3A_881, %add3A_884 : vector<1x1024xf32>
    %add3A_886 = arith.addf %add3A_878, %add3A_885 : vector<1x1024xf32>
    %add3A_887 = arith.addf %slice3A_824, %slice3A_828 : vector<1x1024xf32>
    %add3A_888 = arith.addf %slice3A_826, %slice3A_830 : vector<1x1024xf32>
    %add3A_889 = arith.addf %add3A_887, %add3A_888 : vector<1x1024xf32>
    %add3A_890 = arith.addf %slice3A_825, %slice3A_829 : vector<1x1024xf32>
    %add3A_891 = arith.addf %slice3A_827, %slice3A_831 : vector<1x1024xf32>
    %add3A_892 = arith.addf %add3A_890, %add3A_891 : vector<1x1024xf32>
    %add3A_893 = arith.addf %add3A_889, %add3A_892 : vector<1x1024xf32>
    %add3A_894 = arith.addf %add3A_886, %add3A_893 : vector<1x1024xf32>
    %add3A_895 = arith.addf %slice3A_832, %slice3A_836 : vector<1x1024xf32>
    %add3A_896 = arith.addf %slice3A_834, %slice3A_838 : vector<1x1024xf32>
    %add3A_897 = arith.addf %add3A_895, %add3A_896 : vector<1x1024xf32>
    %add3A_898 = arith.addf %slice3A_833, %slice3A_837 : vector<1x1024xf32>
    %add3A_899 = arith.addf %slice3A_835, %slice3A_839 : vector<1x1024xf32>
    %add3A_900 = arith.addf %add3A_898, %add3A_899 : vector<1x1024xf32>
    %add3A_901 = arith.addf %add3A_897, %add3A_900 : vector<1x1024xf32>
    %add3A_902 = arith.addf %add3A_894, %add3A_901 : vector<1x1024xf32>
    %add3A_903 = arith.addf %slice3A_840, %slice3A_844 : vector<1x1024xf32>
    %add3A_904 = arith.addf %slice3A_842, %slice3A_846 : vector<1x1024xf32>
    %add3A_905 = arith.addf %add3A_903, %add3A_904 : vector<1x1024xf32>
    %add3A_906 = arith.addf %slice3A_841, %slice3A_845 : vector<1x1024xf32>
    %add3A_907 = arith.addf %slice3A_843, %slice3A_847 : vector<1x1024xf32>
    %add3A_908 = arith.addf %add3A_906, %add3A_907 : vector<1x1024xf32>
    %add3A_909 = arith.addf %add3A_905, %add3A_908 : vector<1x1024xf32>
    %add3A_910 = arith.addf %add3A_902, %add3A_909 : vector<1x1024xf32>
    %swap3A_911 = arith.constant 5 : index
    %swap3A_912 = arith.constant 0 : index
    %swap3A_913 = vector.load %arg7[%swap3A_911, %swap3A_912] : memref<8x1024xf32, #tpu.memory_space<vmem>>, vector<1x1024xf32>
    tpu.vector_store %arg7[%swap3A_911, %swap3A_912], %add3A_910 {strides = array<i32>} : memref<8x1024xf32, #tpu.memory_space<vmem>>, vector<1x1024xf32>,
    %transpose3A_914 = tpu.transpose %select_n3A_104, [1, 0] : vector<1024x64xf32> -> vector<64x1024xf32>
    %sub3A_915 = arith.subf %transpose3A, %transpose3A_914 : vector<64x1024xf32>
    %mul3A_916 = arith.mulf %sub3A_915, %sub3A_915 : vector<64x1024xf32>
    %slice3A_917 = vector.extract_strided_slice %mul3A_916 {offsets = [0, 0], sizes = [1, 1024], strides = [1, 1]} : vector<64x1024xf32> to vector<1x1024xf32>
    %slice3A_918 = vector.extract_strided_slice %mul3A_916 {offsets = [1, 0], sizes = [1, 1024], strides = [1, 1]} : vector<64x1024xf32> to vector<1x1024xf32>
    %slice3A_919 = vector.extract_strided_slice %mul3A_916 {offsets = [2, 0], sizes = [1, 1024], strides = [1, 1]} : vector<64x1024xf32> to vector<1x1024xf32>
    %slice3A_920 = vector.extract_strided_slice %mul3A_916 {offsets = [3, 0], sizes = [1, 1024], strides = [1, 1]} : vector<64x1024xf32> to vector<1x1024xf32>
    %slice3A_921 = vector.extract_strided_slice %mul3A_916 {offsets = [4, 0], sizes = [1, 1024], strides = [1, 1]} : vector<64x1024xf32> to vector<1x1024xf32>
    %slice3A_922 = vector.extract_strided_slice %mul3A_916 {offsets = [5, 0], sizes = [1, 1024], strides = [1, 1]} : vector<64x1024xf32> to vector<1x1024xf32>
    %slice3A_923 = vector.extract_strided_slice %mul3A_916 {offsets = [6, 0], sizes = [1, 1024], strides = [1, 1]} : vector<64x1024xf32> to vector<1x1024xf32>
    %slice3A_924 = vector.extract_strided_slice %mul3A_916 {offsets = [7, 0], sizes = [1, 1024], strides = [1, 1]} : vector<64x1024xf32> to vector<1x1024xf32>
    %slice3A_925 = vector.extract_strided_slice %mul3A_916 {offsets = [8, 0], sizes = [1, 1024], strides = [1, 1]} : vector<64x1024xf32> to vector<1x1024xf32>
    %slice3A_926 = vector.extract_strided_slice %mul3A_916 {offsets = [9, 0], sizes = [1, 1024], strides = [1, 1]} : vector<64x1024xf32> to vector<1x1024xf32>
    %slice3A_927 = vector.extract_strided_slice %mul3A_916 {offsets = [10, 0], sizes = [1, 1024], strides = [1, 1]} : vector<64x1024xf32> to vector<1x1024xf32>
    %slice3A_928 = vector.extract_strided_slice %mul3A_916 {offsets = [11, 0], sizes = [1, 1024], strides = [1, 1]} : vector<64x1024xf32> to vector<1x1024xf32>
    %slice3A_929 = vector.extract_strided_slice %mul3A_916 {offsets = [12, 0], sizes = [1, 1024], strides = [1, 1]} : vector<64x1024xf32> to vector<1x1024xf32>
    %slice3A_930 = vector.extract_strided_slice %mul3A_916 {offsets = [13, 0], sizes = [1, 1024], strides = [1, 1]} : vector<64x1024xf32> to vector<1x1024xf32>
    %slice3A_931 = vector.extract_strided_slice %mul3A_916 {offsets = [14, 0], sizes = [1, 1024], strides = [1, 1]} : vector<64x1024xf32> to vector<1x1024xf32>
    %slice3A_932 = vector.extract_strided_slice %mul3A_916 {offsets = [15, 0], sizes = [1, 1024], strides = [1, 1]} : vector<64x1024xf32> to vector<1x1024xf32>
    %slice3A_933 = vector.extract_strided_slice %mul3A_916 {offsets = [16, 0], sizes = [1, 1024], strides = [1, 1]} : vector<64x1024xf32> to vector<1x1024xf32>
    %slice3A_934 = vector.extract_strided_slice %mul3A_916 {offsets = [17, 0], sizes = [1, 1024], strides = [1, 1]} : vector<64x1024xf32> to vector<1x1024xf32>
    %slice3A_935 = vector.extract_strided_slice %mul3A_916 {offsets = [18, 0], sizes = [1, 1024], strides = [1, 1]} : vector<64x1024xf32> to vector<1x1024xf32>
    %slice3A_936 = vector.extract_strided_slice %mul3A_916 {offsets = [19, 0], sizes = [1, 1024], strides = [1, 1]} : vector<64x1024xf32> to vector<1x1024xf32>
    %slice3A_937 = vector.extract_strided_slice %mul3A_916 {offsets = [20, 0], sizes = [1, 1024], strides = [1, 1]} : vector<64x1024xf32> to vector<1x1024xf32>
    %slice3A_938 = vector.extract_strided_slice %mul3A_916 {offsets = [21, 0], sizes = [1, 1024], strides = [1, 1]} : vector<64x1024xf32> to vector<1x1024xf32>
    %slice3A_939 = vector.extract_strided_slice %mul3A_916 {offsets = [22, 0], sizes = [1, 1024], strides = [1, 1]} : vector<64x1024xf32> to vector<1x1024xf32>
    %slice3A_940 = vector.extract_strided_slice %mul3A_916 {offsets = [23, 0], sizes = [1, 1024], strides = [1, 1]} : vector<64x1024xf32> to vector<1x1024xf32>
    %slice3A_941 = vector.extract_strided_slice %mul3A_916 {offsets = [24, 0], sizes = [1, 1024], strides = [1, 1]} : vector<64x1024xf32> to vector<1x1024xf32>
    %slice3A_942 = vector.extract_strided_slice %mul3A_916 {offsets = [25, 0], sizes = [1, 1024], strides = [1, 1]} : vector<64x1024xf32> to vector<1x1024xf32>
    %slice3A_943 = vector.extract_strided_slice %mul3A_916 {offsets = [26, 0], sizes = [1, 1024], strides = [1, 1]} : vector<64x1024xf32> to vector<1x1024xf32>
    %slice3A_944 = vector.extract_strided_slice %mul3A_916 {offsets = [27, 0], sizes = [1, 1024], strides = [1, 1]} : vector<64x1024xf32> to vector<1x1024xf32>
    %slice3A_945 = vector.extract_strided_slice %mul3A_916 {offsets = [28, 0], sizes = [1, 1024], strides = [1, 1]} : vector<64x1024xf32> to vector<1x1024xf32>
    %slice3A_946 = vector.extract_strided_slice %mul3A_916 {offsets = [29, 0], sizes = [1, 1024], strides = [1, 1]} : vector<64x1024xf32> to vector<1x1024xf32>
    %slice3A_947 = vector.extract_strided_slice %mul3A_916 {offsets = [30, 0], sizes = [1, 1024], strides = [1, 1]} : vector<64x1024xf32> to vector<1x1024xf32>
    %slice3A_948 = vector.extract_strided_slice %mul3A_916 {offsets = [31, 0], sizes = [1, 1024], strides = [1, 1]} : vector<64x1024xf32> to vector<1x1024xf32>
    %slice3A_949 = vector.extract_strided_slice %mul3A_916 {offsets = [32, 0], sizes = [1, 1024], strides = [1, 1]} : vector<64x1024xf32> to vector<1x1024xf32>
    %slice3A_950 = vector.extract_strided_slice %mul3A_916 {offsets = [33, 0], sizes = [1, 1024], strides = [1, 1]} : vector<64x1024xf32> to vector<1x1024xf32>
    %slice3A_951 = vector.extract_strided_slice %mul3A_916 {offsets = [34, 0], sizes = [1, 1024], strides = [1, 1]} : vector<64x1024xf32> to vector<1x1024xf32>
    %slice3A_952 = vector.extract_strided_slice %mul3A_916 {offsets = [35, 0], sizes = [1, 1024], strides = [1, 1]} : vector<64x1024xf32> to vector<1x1024xf32>
    %slice3A_953 = vector.extract_strided_slice %mul3A_916 {offsets = [36, 0], sizes = [1, 1024], strides = [1, 1]} : vector<64x1024xf32> to vector<1x1024xf32>
    %slice3A_954 = vector.extract_strided_slice %mul3A_916 {offsets = [37, 0], sizes = [1, 1024], strides = [1, 1]} : vector<64x1024xf32> to vector<1x1024xf32>
    %slice3A_955 = vector.extract_strided_slice %mul3A_916 {offsets = [38, 0], sizes = [1, 1024], strides = [1, 1]} : vector<64x1024xf32> to vector<1x1024xf32>
    %slice3A_956 = vector.extract_strided_slice %mul3A_916 {offsets = [39, 0], sizes = [1, 1024], strides = [1, 1]} : vector<64x1024xf32> to vector<1x1024xf32>
    %slice3A_957 = vector.extract_strided_slice %mul3A_916 {offsets = [40, 0], sizes = [1, 1024], strides = [1, 1]} : vector<64x1024xf32> to vector<1x1024xf32>
    %slice3A_958 = vector.extract_strided_slice %mul3A_916 {offsets = [41, 0], sizes = [1, 1024], strides = [1, 1]} : vector<64x1024xf32> to vector<1x1024xf32>
    %slice3A_959 = vector.extract_strided_slice %mul3A_916 {offsets = [42, 0], sizes = [1, 1024], strides = [1, 1]} : vector<64x1024xf32> to vector<1x1024xf32>
    %slice3A_960 = vector.extract_strided_slice %mul3A_916 {offsets = [43, 0], sizes = [1, 1024], strides = [1, 1]} : vector<64x1024xf32> to vector<1x1024xf32>
    %slice3A_961 = vector.extract_strided_slice %mul3A_916 {offsets = [44, 0], sizes = [1, 1024], strides = [1, 1]} : vector<64x1024xf32> to vector<1x1024xf32>
    %slice3A_962 = vector.extract_strided_slice %mul3A_916 {offsets = [45, 0], sizes = [1, 1024], strides = [1, 1]} : vector<64x1024xf32> to vector<1x1024xf32>
    %slice3A_963 = vector.extract_strided_slice %mul3A_916 {offsets = [46, 0], sizes = [1, 1024], strides = [1, 1]} : vector<64x1024xf32> to vector<1x1024xf32>
    %slice3A_964 = vector.extract_strided_slice %mul3A_916 {offsets = [47, 0], sizes = [1, 1024], strides = [1, 1]} : vector<64x1024xf32> to vector<1x1024xf32>
    %slice3A_965 = vector.extract_strided_slice %mul3A_916 {offsets = [48, 0], sizes = [1, 1024], strides = [1, 1]} : vector<64x1024xf32> to vector<1x1024xf32>
    %slice3A_966 = vector.extract_strided_slice %mul3A_916 {offsets = [49, 0], sizes = [1, 1024], strides = [1, 1]} : vector<64x1024xf32> to vector<1x1024xf32>
    %slice3A_967 = vector.extract_strided_slice %mul3A_916 {offsets = [50, 0], sizes = [1, 1024], strides = [1, 1]} : vector<64x1024xf32> to vector<1x1024xf32>
    %slice3A_968 = vector.extract_strided_slice %mul3A_916 {offsets = [51, 0], sizes = [1, 1024], strides = [1, 1]} : vector<64x1024xf32> to vector<1x1024xf32>
    %slice3A_969 = vector.extract_strided_slice %mul3A_916 {offsets = [52, 0], sizes = [1, 1024], strides = [1, 1]} : vector<64x1024xf32> to vector<1x1024xf32>
    %slice3A_970 = vector.extract_strided_slice %mul3A_916 {offsets = [53, 0], sizes = [1, 1024], strides = [1, 1]} : vector<64x1024xf32> to vector<1x1024xf32>
    %slice3A_971 = vector.extract_strided_slice %mul3A_916 {offsets = [54, 0], sizes = [1, 1024], strides = [1, 1]} : vector<64x1024xf32> to vector<1x1024xf32>
    %slice3A_972 = vector.extract_strided_slice %mul3A_916 {offsets = [55, 0], sizes = [1, 1024], strides = [1, 1]} : vector<64x1024xf32> to vector<1x1024xf32>
    %slice3A_973 = vector.extract_strided_slice %mul3A_916 {offsets = [56, 0], sizes = [1, 1024], strides = [1, 1]} : vector<64x1024xf32> to vector<1x1024xf32>
    %slice3A_974 = vector.extract_strided_slice %mul3A_916 {offsets = [57, 0], sizes = [1, 1024], strides = [1, 1]} : vector<64x1024xf32> to vector<1x1024xf32>
    %slice3A_975 = vector.extract_strided_slice %mul3A_916 {offsets = [58, 0], sizes = [1, 1024], strides = [1, 1]} : vector<64x1024xf32> to vector<1x1024xf32>
    %slice3A_976 = vector.extract_strided_slice %mul3A_916 {offsets = [59, 0], sizes = [1, 1024], strides = [1, 1]} : vector<64x1024xf32> to vector<1x1024xf32>
    %slice3A_977 = vector.extract_strided_slice %mul3A_916 {offsets = [60, 0], sizes = [1, 1024], strides = [1, 1]} : vector<64x1024xf32> to vector<1x1024xf32>
    %slice3A_978 = vector.extract_strided_slice %mul3A_916 {offsets = [61, 0], sizes = [1, 1024], strides = [1, 1]} : vector<64x1024xf32> to vector<1x1024xf32>
    %slice3A_979 = vector.extract_strided_slice %mul3A_916 {offsets = [62, 0], sizes = [1, 1024], strides = [1, 1]} : vector<64x1024xf32> to vector<1x1024xf32>
    %slice3A_980 = vector.extract_strided_slice %mul3A_916 {offsets = [63, 0], sizes = [1, 1024], strides = [1, 1]} : vector<64x1024xf32> to vector<1x1024xf32>
    %add3A_981 = arith.addf %slice3A_917, %slice3A_921 : vector<1x1024xf32>
    %add3A_982 = arith.addf %slice3A_919, %slice3A_923 : vector<1x1024xf32>
    %add3A_983 = arith.addf %add3A_981, %add3A_982 : vector<1x1024xf32>
    %add3A_984 = arith.addf %slice3A_918, %slice3A_922 : vector<1x1024xf32>
    %add3A_985 = arith.addf %slice3A_920, %slice3A_924 : vector<1x1024xf32>
    %add3A_986 = arith.addf %add3A_984, %add3A_985 : vector<1x1024xf32>
    %add3A_987 = arith.addf %add3A_983, %add3A_986 : vector<1x1024xf32>
    %add3A_988 = arith.addf %slice3A_925, %slice3A_929 : vector<1x1024xf32>
    %add3A_989 = arith.addf %slice3A_927, %slice3A_931 : vector<1x1024xf32>
    %add3A_990 = arith.addf %add3A_988, %add3A_989 : vector<1x1024xf32>
    %add3A_991 = arith.addf %slice3A_926, %slice3A_930 : vector<1x1024xf32>
    %add3A_992 = arith.addf %slice3A_928, %slice3A_932 : vector<1x1024xf32>
    %add3A_993 = arith.addf %add3A_991, %add3A_992 : vector<1x1024xf32>
    %add3A_994 = arith.addf %add3A_990, %add3A_993 : vector<1x1024xf32>
    %add3A_995 = arith.addf %add3A_987, %add3A_994 : vector<1x1024xf32>
    %add3A_996 = arith.addf %slice3A_933, %slice3A_937 : vector<1x1024xf32>
    %add3A_997 = arith.addf %slice3A_935, %slice3A_939 : vector<1x1024xf32>
    %add3A_998 = arith.addf %add3A_996, %add3A_997 : vector<1x1024xf32>
    %add3A_999 = arith.addf %slice3A_934, %slice3A_938 : vector<1x1024xf32>
    %add3A_1000 = arith.addf %slice3A_936, %slice3A_940 : vector<1x1024xf32>
    %add3A_1001 = arith.addf %add3A_999, %add3A_1000 : vector<1x1024xf32>
    %add3A_1002 = arith.addf %add3A_998, %add3A_1001 : vector<1x1024xf32>
    %add3A_1003 = arith.addf %add3A_995, %add3A_1002 : vector<1x1024xf32>
    %add3A_1004 = arith.addf %slice3A_941, %slice3A_945 : vector<1x1024xf32>
    %add3A_1005 = arith.addf %slice3A_943, %slice3A_947 : vector<1x1024xf32>
    %add3A_1006 = arith.addf %add3A_1004, %add3A_1005 : vector<1x1024xf32>
    %add3A_1007 = arith.addf %slice3A_942, %slice3A_946 : vector<1x1024xf32>
    %add3A_1008 = arith.addf %slice3A_944, %slice3A_948 : vector<1x1024xf32>
    %add3A_1009 = arith.addf %add3A_1007, %add3A_1008 : vector<1x1024xf32>
    %add3A_1010 = arith.addf %add3A_1006, %add3A_1009 : vector<1x1024xf32>
    %add3A_1011 = arith.addf %add3A_1003, %add3A_1010 : vector<1x1024xf32>
    %add3A_1012 = arith.addf %slice3A_949, %slice3A_953 : vector<1x1024xf32>
    %add3A_1013 = arith.addf %slice3A_951, %slice3A_955 : vector<1x1024xf32>
    %add3A_1014 = arith.addf %add3A_1012, %add3A_1013 : vector<1x1024xf32>
    %add3A_1015 = arith.addf %slice3A_950, %slice3A_954 : vector<1x1024xf32>
    %add3A_1016 = arith.addf %slice3A_952, %slice3A_956 : vector<1x1024xf32>
    %add3A_1017 = arith.addf %add3A_1015, %add3A_1016 : vector<1x1024xf32>
    %add3A_1018 = arith.addf %add3A_1014, %add3A_1017 : vector<1x1024xf32>
    %add3A_1019 = arith.addf %add3A_1011, %add3A_1018 : vector<1x1024xf32>
    %add3A_1020 = arith.addf %slice3A_957, %slice3A_961 : vector<1x1024xf32>
    %add3A_1021 = arith.addf %slice3A_959, %slice3A_963 : vector<1x1024xf32>
    %add3A_1022 = arith.addf %add3A_1020, %add3A_1021 : vector<1x1024xf32>
    %add3A_1023 = arith.addf %slice3A_958, %slice3A_962 : vector<1x1024xf32>
    %add3A_1024 = arith.addf %slice3A_960, %slice3A_964 : vector<1x1024xf32>
    %add3A_1025 = arith.addf %add3A_1023, %add3A_1024 : vector<1x1024xf32>
    %add3A_1026 = arith.addf %add3A_1022, %add3A_1025 : vector<1x1024xf32>
    %add3A_1027 = arith.addf %add3A_1019, %add3A_1026 : vector<1x1024xf32>
    %add3A_1028 = arith.addf %slice3A_965, %slice3A_969 : vector<1x1024xf32>
    %add3A_1029 = arith.addf %slice3A_967, %slice3A_971 : vector<1x1024xf32>
    %add3A_1030 = arith.addf %add3A_1028, %add3A_1029 : vector<1x1024xf32>
    %add3A_1031 = arith.addf %slice3A_966, %slice3A_970 : vector<1x1024xf32>
    %add3A_1032 = arith.addf %slice3A_968, %slice3A_972 : vector<1x1024xf32>
    %add3A_1033 = arith.addf %add3A_1031, %add3A_1032 : vector<1x1024xf32>
    %add3A_1034 = arith.addf %add3A_1030, %add3A_1033 : vector<1x1024xf32>
    %add3A_1035 = arith.addf %add3A_1027, %add3A_1034 : vector<1x1024xf32>
    %add3A_1036 = arith.addf %slice3A_973, %slice3A_977 : vector<1x1024xf32>
    %add3A_1037 = arith.addf %slice3A_975, %slice3A_979 : vector<1x1024xf32>
    %add3A_1038 = arith.addf %add3A_1036, %add3A_1037 : vector<1x1024xf32>
    %add3A_1039 = arith.addf %slice3A_974, %slice3A_978 : vector<1x1024xf32>
    %add3A_1040 = arith.addf %slice3A_976, %slice3A_980 : vector<1x1024xf32>
    %add3A_1041 = arith.addf %add3A_1039, %add3A_1040 : vector<1x1024xf32>
    %add3A_1042 = arith.addf %add3A_1038, %add3A_1041 : vector<1x1024xf32>
    %add3A_1043 = arith.addf %add3A_1035, %add3A_1042 : vector<1x1024xf32>
    %swap3A_1044 = arith.constant 6 : index
    %swap3A_1045 = arith.constant 0 : index
    %swap3A_1046 = vector.load %arg7[%swap3A_1044, %swap3A_1045] : memref<8x1024xf32, #tpu.memory_space<vmem>>, vector<1x1024xf32>
    tpu.vector_store %arg7[%swap3A_1044, %swap3A_1045], %add3A_1043 {strides = array<i32>} : memref<8x1024xf32, #tpu.memory_space<vmem>>, vector<1x1024xf32>,
    %transpose3A_1047 = tpu.transpose %select_n3A_119, [1, 0] : vector<1024x64xf32> -> vector<64x1024xf32>
    %sub3A_1048 = arith.subf %transpose3A, %transpose3A_1047 : vector<64x1024xf32>
    %mul3A_1049 = arith.mulf %sub3A_1048, %sub3A_1048 : vector<64x1024xf32>
    %slice3A_1050 = vector.extract_strided_slice %mul3A_1049 {offsets = [0, 0], sizes = [1, 1024], strides = [1, 1]} : vector<64x1024xf32> to vector<1x1024xf32>
    %slice3A_1051 = vector.extract_strided_slice %mul3A_1049 {offsets = [1, 0], sizes = [1, 1024], strides = [1, 1]} : vector<64x1024xf32> to vector<1x1024xf32>
    %slice3A_1052 = vector.extract_strided_slice %mul3A_1049 {offsets = [2, 0], sizes = [1, 1024], strides = [1, 1]} : vector<64x1024xf32> to vector<1x1024xf32>
    %slice3A_1053 = vector.extract_strided_slice %mul3A_1049 {offsets = [3, 0], sizes = [1, 1024], strides = [1, 1]} : vector<64x1024xf32> to vector<1x1024xf32>
    %slice3A_1054 = vector.extract_strided_slice %mul3A_1049 {offsets = [4, 0], sizes = [1, 1024], strides = [1, 1]} : vector<64x1024xf32> to vector<1x1024xf32>
    %slice3A_1055 = vector.extract_strided_slice %mul3A_1049 {offsets = [5, 0], sizes = [1, 1024], strides = [1, 1]} : vector<64x1024xf32> to vector<1x1024xf32>
    %slice3A_1056 = vector.extract_strided_slice %mul3A_1049 {offsets = [6, 0], sizes = [1, 1024], strides = [1, 1]} : vector<64x1024xf32> to vector<1x1024xf32>
    %slice3A_1057 = vector.extract_strided_slice %mul3A_1049 {offsets = [7, 0], sizes = [1, 1024], strides = [1, 1]} : vector<64x1024xf32> to vector<1x1024xf32>
    %slice3A_1058 = vector.extract_strided_slice %mul3A_1049 {offsets = [8, 0], sizes = [1, 1024], strides = [1, 1]} : vector<64x1024xf32> to vector<1x1024xf32>
    %slice3A_1059 = vector.extract_strided_slice %mul3A_1049 {offsets = [9, 0], sizes = [1, 1024], strides = [1, 1]} : vector<64x1024xf32> to vector<1x1024xf32>
    %slice3A_1060 = vector.extract_strided_slice %mul3A_1049 {offsets = [10, 0], sizes = [1, 1024], strides = [1, 1]} : vector<64x1024xf32> to vector<1x1024xf32>
    %slice3A_1061 = vector.extract_strided_slice %mul3A_1049 {offsets = [11, 0], sizes = [1, 1024], strides = [1, 1]} : vector<64x1024xf32> to vector<1x1024xf32>
    %slice3A_1062 = vector.extract_strided_slice %mul3A_1049 {offsets = [12, 0], sizes = [1, 1024], strides = [1, 1]} : vector<64x1024xf32> to vector<1x1024xf32>
    %slice3A_1063 = vector.extract_strided_slice %mul3A_1049 {offsets = [13, 0], sizes = [1, 1024], strides = [1, 1]} : vector<64x1024xf32> to vector<1x1024xf32>
    %slice3A_1064 = vector.extract_strided_slice %mul3A_1049 {offsets = [14, 0], sizes = [1, 1024], strides = [1, 1]} : vector<64x1024xf32> to vector<1x1024xf32>
    %slice3A_1065 = vector.extract_strided_slice %mul3A_1049 {offsets = [15, 0], sizes = [1, 1024], strides = [1, 1]} : vector<64x1024xf32> to vector<1x1024xf32>
    %slice3A_1066 = vector.extract_strided_slice %mul3A_1049 {offsets = [16, 0], sizes = [1, 1024], strides = [1, 1]} : vector<64x1024xf32> to vector<1x1024xf32>
    %slice3A_1067 = vector.extract_strided_slice %mul3A_1049 {offsets = [17, 0], sizes = [1, 1024], strides = [1, 1]} : vector<64x1024xf32> to vector<1x1024xf32>
    %slice3A_1068 = vector.extract_strided_slice %mul3A_1049 {offsets = [18, 0], sizes = [1, 1024], strides = [1, 1]} : vector<64x1024xf32> to vector<1x1024xf32>
    %slice3A_1069 = vector.extract_strided_slice %mul3A_1049 {offsets = [19, 0], sizes = [1, 1024], strides = [1, 1]} : vector<64x1024xf32> to vector<1x1024xf32>
    %slice3A_1070 = vector.extract_strided_slice %mul3A_1049 {offsets = [20, 0], sizes = [1, 1024], strides = [1, 1]} : vector<64x1024xf32> to vector<1x1024xf32>
    %slice3A_1071 = vector.extract_strided_slice %mul3A_1049 {offsets = [21, 0], sizes = [1, 1024], strides = [1, 1]} : vector<64x1024xf32> to vector<1x1024xf32>
    %slice3A_1072 = vector.extract_strided_slice %mul3A_1049 {offsets = [22, 0], sizes = [1, 1024], strides = [1, 1]} : vector<64x1024xf32> to vector<1x1024xf32>
    %slice3A_1073 = vector.extract_strided_slice %mul3A_1049 {offsets = [23, 0], sizes = [1, 1024], strides = [1, 1]} : vector<64x1024xf32> to vector<1x1024xf32>
    %slice3A_1074 = vector.extract_strided_slice %mul3A_1049 {offsets = [24, 0], sizes = [1, 1024], strides = [1, 1]} : vector<64x1024xf32> to vector<1x1024xf32>
    %slice3A_1075 = vector.extract_strided_slice %mul3A_1049 {offsets = [25, 0], sizes = [1, 1024], strides = [1, 1]} : vector<64x1024xf32> to vector<1x1024xf32>
    %slice3A_1076 = vector.extract_strided_slice %mul3A_1049 {offsets = [26, 0], sizes = [1, 1024], strides = [1, 1]} : vector<64x1024xf32> to vector<1x1024xf32>
    %slice3A_1077 = vector.extract_strided_slice %mul3A_1049 {offsets = [27, 0], sizes = [1, 1024], strides = [1, 1]} : vector<64x1024xf32> to vector<1x1024xf32>
    %slice3A_1078 = vector.extract_strided_slice %mul3A_1049 {offsets = [28, 0], sizes = [1, 1024], strides = [1, 1]} : vector<64x1024xf32> to vector<1x1024xf32>
    %slice3A_1079 = vector.extract_strided_slice %mul3A_1049 {offsets = [29, 0], sizes = [1, 1024], strides = [1, 1]} : vector<64x1024xf32> to vector<1x1024xf32>
    %slice3A_1080 = vector.extract_strided_slice %mul3A_1049 {offsets = [30, 0], sizes = [1, 1024], strides = [1, 1]} : vector<64x1024xf32> to vector<1x1024xf32>
    %slice3A_1081 = vector.extract_strided_slice %mul3A_1049 {offsets = [31, 0], sizes = [1, 1024], strides = [1, 1]} : vector<64x1024xf32> to vector<1x1024xf32>
    %slice3A_1082 = vector.extract_strided_slice %mul3A_1049 {offsets = [32, 0], sizes = [1, 1024], strides = [1, 1]} : vector<64x1024xf32> to vector<1x1024xf32>
    %slice3A_1083 = vector.extract_strided_slice %mul3A_1049 {offsets = [33, 0], sizes = [1, 1024], strides = [1, 1]} : vector<64x1024xf32> to vector<1x1024xf32>
    %slice3A_1084 = vector.extract_strided_slice %mul3A_1049 {offsets = [34, 0], sizes = [1, 1024], strides = [1, 1]} : vector<64x1024xf32> to vector<1x1024xf32>
    %slice3A_1085 = vector.extract_strided_slice %mul3A_1049 {offsets = [35, 0], sizes = [1, 1024], strides = [1, 1]} : vector<64x1024xf32> to vector<1x1024xf32>
    %slice3A_1086 = vector.extract_strided_slice %mul3A_1049 {offsets = [36, 0], sizes = [1, 1024], strides = [1, 1]} : vector<64x1024xf32> to vector<1x1024xf32>
    %slice3A_1087 = vector.extract_strided_slice %mul3A_1049 {offsets = [37, 0], sizes = [1, 1024], strides = [1, 1]} : vector<64x1024xf32> to vector<1x1024xf32>
    %slice3A_1088 = vector.extract_strided_slice %mul3A_1049 {offsets = [38, 0], sizes = [1, 1024], strides = [1, 1]} : vector<64x1024xf32> to vector<1x1024xf32>
    %slice3A_1089 = vector.extract_strided_slice %mul3A_1049 {offsets = [39, 0], sizes = [1, 1024], strides = [1, 1]} : vector<64x1024xf32> to vector<1x1024xf32>
    %slice3A_1090 = vector.extract_strided_slice %mul3A_1049 {offsets = [40, 0], sizes = [1, 1024], strides = [1, 1]} : vector<64x1024xf32> to vector<1x1024xf32>
    %slice3A_1091 = vector.extract_strided_slice %mul3A_1049 {offsets = [41, 0], sizes = [1, 1024], strides = [1, 1]} : vector<64x1024xf32> to vector<1x1024xf32>
    %slice3A_1092 = vector.extract_strided_slice %mul3A_1049 {offsets = [42, 0], sizes = [1, 1024], strides = [1, 1]} : vector<64x1024xf32> to vector<1x1024xf32>
    %slice3A_1093 = vector.extract_strided_slice %mul3A_1049 {offsets = [43, 0], sizes = [1, 1024], strides = [1, 1]} : vector<64x1024xf32> to vector<1x1024xf32>
    %slice3A_1094 = vector.extract_strided_slice %mul3A_1049 {offsets = [44, 0], sizes = [1, 1024], strides = [1, 1]} : vector<64x1024xf32> to vector<1x1024xf32>
    %slice3A_1095 = vector.extract_strided_slice %mul3A_1049 {offsets = [45, 0], sizes = [1, 1024], strides = [1, 1]} : vector<64x1024xf32> to vector<1x1024xf32>
    %slice3A_1096 = vector.extract_strided_slice %mul3A_1049 {offsets = [46, 0], sizes = [1, 1024], strides = [1, 1]} : vector<64x1024xf32> to vector<1x1024xf32>
    %slice3A_1097 = vector.extract_strided_slice %mul3A_1049 {offsets = [47, 0], sizes = [1, 1024], strides = [1, 1]} : vector<64x1024xf32> to vector<1x1024xf32>
    %slice3A_1098 = vector.extract_strided_slice %mul3A_1049 {offsets = [48, 0], sizes = [1, 1024], strides = [1, 1]} : vector<64x1024xf32> to vector<1x1024xf32>
    %slice3A_1099 = vector.extract_strided_slice %mul3A_1049 {offsets = [49, 0], sizes = [1, 1024], strides = [1, 1]} : vector<64x1024xf32> to vector<1x1024xf32>
    %slice3A_1100 = vector.extract_strided_slice %mul3A_1049 {offsets = [50, 0], sizes = [1, 1024], strides = [1, 1]} : vector<64x1024xf32> to vector<1x1024xf32>
    %slice3A_1101 = vector.extract_strided_slice %mul3A_1049 {offsets = [51, 0], sizes = [1, 1024], strides = [1, 1]} : vector<64x1024xf32> to vector<1x1024xf32>
    %slice3A_1102 = vector.extract_strided_slice %mul3A_1049 {offsets = [52, 0], sizes = [1, 1024], strides = [1, 1]} : vector<64x1024xf32> to vector<1x1024xf32>
    %slice3A_1103 = vector.extract_strided_slice %mul3A_1049 {offsets = [53, 0], sizes = [1, 1024], strides = [1, 1]} : vector<64x1024xf32> to vector<1x1024xf32>
    %slice3A_1104 = vector.extract_strided_slice %mul3A_1049 {offsets = [54, 0], sizes = [1, 1024], strides = [1, 1]} : vector<64x1024xf32> to vector<1x1024xf32>
    %slice3A_1105 = vector.extract_strided_slice %mul3A_1049 {offsets = [55, 0], sizes = [1, 1024], strides = [1, 1]} : vector<64x1024xf32> to vector<1x1024xf32>
    %slice3A_1106 = vector.extract_strided_slice %mul3A_1049 {offsets = [56, 0], sizes = [1, 1024], strides = [1, 1]} : vector<64x1024xf32> to vector<1x1024xf32>
    %slice3A_1107 = vector.extract_strided_slice %mul3A_1049 {offsets = [57, 0], sizes = [1, 1024], strides = [1, 1]} : vector<64x1024xf32> to vector<1x1024xf32>
    %slice3A_1108 = vector.extract_strided_slice %mul3A_1049 {offsets = [58, 0], sizes = [1, 1024], strides = [1, 1]} : vector<64x1024xf32> to vector<1x1024xf32>
    %slice3A_1109 = vector.extract_strided_slice %mul3A_1049 {offsets = [59, 0], sizes = [1, 1024], strides = [1, 1]} : vector<64x1024xf32> to vector<1x1024xf32>
    %slice3A_1110 = vector.extract_strided_slice %mul3A_1049 {offsets = [60, 0], sizes = [1, 1024], strides = [1, 1]} : vector<64x1024xf32> to vector<1x1024xf32>
    %slice3A_1111 = vector.extract_strided_slice %mul3A_1049 {offsets = [61, 0], sizes = [1, 1024], strides = [1, 1]} : vector<64x1024xf32> to vector<1x1024xf32>
    %slice3A_1112 = vector.extract_strided_slice %mul3A_1049 {offsets = [62, 0], sizes = [1, 1024], strides = [1, 1]} : vector<64x1024xf32> to vector<1x1024xf32>
    %slice3A_1113 = vector.extract_strided_slice %mul3A_1049 {offsets = [63, 0], sizes = [1, 1024], strides = [1, 1]} : vector<64x1024xf32> to vector<1x1024xf32>
    %add3A_1114 = arith.addf %slice3A_1050, %slice3A_1054 : vector<1x1024xf32>
    %add3A_1115 = arith.addf %slice3A_1052, %slice3A_1056 : vector<1x1024xf32>
    %add3A_1116 = arith.addf %add3A_1114, %add3A_1115 : vector<1x1024xf32>
    %add3A_1117 = arith.addf %slice3A_1051, %slice3A_1055 : vector<1x1024xf32>
    %add3A_1118 = arith.addf %slice3A_1053, %slice3A_1057 : vector<1x1024xf32>
    %add3A_1119 = arith.addf %add3A_1117, %add3A_1118 : vector<1x1024xf32>
    %add3A_1120 = arith.addf %add3A_1116, %add3A_1119 : vector<1x1024xf32>
    %add3A_1121 = arith.addf %slice3A_1058, %slice3A_1062 : vector<1x1024xf32>
    %add3A_1122 = arith.addf %slice3A_1060, %slice3A_1064 : vector<1x1024xf32>
    %add3A_1123 = arith.addf %add3A_1121, %add3A_1122 : vector<1x1024xf32>
    %add3A_1124 = arith.addf %slice3A_1059, %slice3A_1063 : vector<1x1024xf32>
    %add3A_1125 = arith.addf %slice3A_1061, %slice3A_1065 : vector<1x1024xf32>
    %add3A_1126 = arith.addf %add3A_1124, %add3A_1125 : vector<1x1024xf32>
    %add3A_1127 = arith.addf %add3A_1123, %add3A_1126 : vector<1x1024xf32>
    %add3A_1128 = arith.addf %add3A_1120, %add3A_1127 : vector<1x1024xf32>
    %add3A_1129 = arith.addf %slice3A_1066, %slice3A_1070 : vector<1x1024xf32>
    %add3A_1130 = arith.addf %slice3A_1068, %slice3A_1072 : vector<1x1024xf32>
    %add3A_1131 = arith.addf %add3A_1129, %add3A_1130 : vector<1x1024xf32>
    %add3A_1132 = arith.addf %slice3A_1067, %slice3A_1071 : vector<1x1024xf32>
    %add3A_1133 = arith.addf %slice3A_1069, %slice3A_1073 : vector<1x1024xf32>
    %add3A_1134 = arith.addf %add3A_1132, %add3A_1133 : vector<1x1024xf32>
    %add3A_1135 = arith.addf %add3A_1131, %add3A_1134 : vector<1x1024xf32>
    %add3A_1136 = arith.addf %add3A_1128, %add3A_1135 : vector<1x1024xf32>
    %add3A_1137 = arith.addf %slice3A_1074, %slice3A_1078 : vector<1x1024xf32>
    %add3A_1138 = arith.addf %slice3A_1076, %slice3A_1080 : vector<1x1024xf32>
    %add3A_1139 = arith.addf %add3A_1137, %add3A_1138 : vector<1x1024xf32>
    %add3A_1140 = arith.addf %slice3A_1075, %slice3A_1079 : vector<1x1024xf32>
    %add3A_1141 = arith.addf %slice3A_1077, %slice3A_1081 : vector<1x1024xf32>
    %add3A_1142 = arith.addf %add3A_1140, %add3A_1141 : vector<1x1024xf32>
    %add3A_1143 = arith.addf %add3A_1139, %add3A_1142 : vector<1x1024xf32>
    %add3A_1144 = arith.addf %add3A_1136, %add3A_1143 : vector<1x1024xf32>
    %add3A_1145 = arith.addf %slice3A_1082, %slice3A_1086 : vector<1x1024xf32>
    %add3A_1146 = arith.addf %slice3A_1084, %slice3A_1088 : vector<1x1024xf32>
    %add3A_1147 = arith.addf %add3A_1145, %add3A_1146 : vector<1x1024xf32>
    %add3A_1148 = arith.addf %slice3A_1083, %slice3A_1087 : vector<1x1024xf32>
    %add3A_1149 = arith.addf %slice3A_1085, %slice3A_1089 : vector<1x1024xf32>
    %add3A_1150 = arith.addf %add3A_1148, %add3A_1149 : vector<1x1024xf32>
    %add3A_1151 = arith.addf %add3A_1147, %add3A_1150 : vector<1x1024xf32>
    %add3A_1152 = arith.addf %add3A_1144, %add3A_1151 : vector<1x1024xf32>
    %add3A_1153 = arith.addf %slice3A_1090, %slice3A_1094 : vector<1x1024xf32>
    %add3A_1154 = arith.addf %slice3A_1092, %slice3A_1096 : vector<1x1024xf32>
    %add3A_1155 = arith.addf %add3A_1153, %add3A_1154 : vector<1x1024xf32>
    %add3A_1156 = arith.addf %slice3A_1091, %slice3A_1095 : vector<1x1024xf32>
    %add3A_1157 = arith.addf %slice3A_1093, %slice3A_1097 : vector<1x1024xf32>
    %add3A_1158 = arith.addf %add3A_1156, %add3A_1157 : vector<1x1024xf32>
    %add3A_1159 = arith.addf %add3A_1155, %add3A_1158 : vector<1x1024xf32>
    %add3A_1160 = arith.addf %add3A_1152, %add3A_1159 : vector<1x1024xf32>
    %add3A_1161 = arith.addf %slice3A_1098, %slice3A_1102 : vector<1x1024xf32>
    %add3A_1162 = arith.addf %slice3A_1100, %slice3A_1104 : vector<1x1024xf32>
    %add3A_1163 = arith.addf %add3A_1161, %add3A_1162 : vector<1x1024xf32>
    %add3A_1164 = arith.addf %slice3A_1099, %slice3A_1103 : vector<1x1024xf32>
    %add3A_1165 = arith.addf %slice3A_1101, %slice3A_1105 : vector<1x1024xf32>
    %add3A_1166 = arith.addf %add3A_1164, %add3A_1165 : vector<1x1024xf32>
    %add3A_1167 = arith.addf %add3A_1163, %add3A_1166 : vector<1x1024xf32>
    %add3A_1168 = arith.addf %add3A_1160, %add3A_1167 : vector<1x1024xf32>
    %add3A_1169 = arith.addf %slice3A_1106, %slice3A_1110 : vector<1x1024xf32>
    %add3A_1170 = arith.addf %slice3A_1108, %slice3A_1112 : vector<1x1024xf32>
    %add3A_1171 = arith.addf %add3A_1169, %add3A_1170 : vector<1x1024xf32>
    %add3A_1172 = arith.addf %slice3A_1107, %slice3A_1111 : vector<1x1024xf32>
    %add3A_1173 = arith.addf %slice3A_1109, %slice3A_1113 : vector<1x1024xf32>
    %add3A_1174 = arith.addf %add3A_1172, %add3A_1173 : vector<1x1024xf32>
    %add3A_1175 = arith.addf %add3A_1171, %add3A_1174 : vector<1x1024xf32>
    %add3A_1176 = arith.addf %add3A_1168, %add3A_1175 : vector<1x1024xf32>
    %swap3A_1177 = arith.constant 7 : index
    %swap3A_1178 = arith.constant 0 : index
    %swap3A_1179 = vector.load %arg7[%swap3A_1177, %swap3A_1178] : memref<8x1024xf32, #tpu.memory_space<vmem>>, vector<1x1024xf32>
    tpu.vector_store %arg7[%swap3A_1177, %swap3A_1178], %add3A_1176 {strides = array<i32>} : memref<8x1024xf32, #tpu.memory_space<vmem>>, vector<1x1024xf32>,
    %get3A_1180 = arith.constant 0 : index
    %get3A_1181 = arith.constant 0 : index
    %get3A_1182 = vector.load %arg7[%get3A_1180, %get3A_1181] : memref<8x1024xf32, #tpu.memory_space<vmem>>, vector<8x1024xf32>
    %transpose3A_1183 = tpu.transpose %get3A_1182, [1, 0] : vector<8x1024xf32> -> vector<1024x8xf32>
    %reduce_min3A = arith.constant dense<0x7F800000> : vector<1024xf32>
    %reduce_min3A_1184 = vector.multi_reduction <minimumf>, %transpose3A_1183, %reduce_min3A [1] : vector<1024x8xf32> to vector<1024xf32>
    %broadcast_in_dim3A_1185 = vector.shape_cast %reduce_min3A_1184 : vector<1024xf32> to vector<1024x1xf32>
    %eq3A_1186 = vector.broadcast %broadcast_in_dim3A_1185 : vector<1024x1xf32> to vector<1024x8xf32>
    %eq3A_1187 = arith.cmpf oeq, %transpose3A_1183, %eq3A_1186 : vector<1024x8xf32>
    %jit3A = arith.constant 2147483647 : i32
    %broadcast_in_dim3A_1188 = vector.broadcast %jit3A : i32 to vector<1024x8xi32>
    %select_n3A_1189 = arith.select %eq3A_1187, %get3A_4, %broadcast_in_dim3A_1188 : vector<1024x8xi1>, vector<1024x8xi32>
    %reduce_min3A_1190 = arith.constant dense<2147483647> : vector<1024xi32>
    %reduce_min3A_1191 = vector.multi_reduction <minsi>, %select_n3A_1189, %reduce_min3A_1190 [1] : vector<1024x8xi32> to vector<1024xi32>
    %broadcast_in_dim3A_1192 = vector.shape_cast %reduce_min3A_1191 : vector<1024xi32> to vector<1024x1xi32>
    %swap3A_1193 = arith.constant 0 : index
    %swap3A_1194 = arith.constant 0 : index
    %swap3A_1195 = vector.load %arg3[%swap3A_1193, %swap3A_1194] : memref<1024x1xi32, #tpu.memory_space<vmem>>, vector<1024x1xi32>
    tpu.vector_store %arg3[%swap3A_1193, %swap3A_1194], %broadcast_in_dim3A_1192 {strides = array<i32>} : memref<1024x1xi32, #tpu.memory_space<vmem>>, vector<1024x1xi32>,
    %broadcast_in_dim3A_1196 = arith.constant 0.000000e+00 : f32
    %broadcast_in_dim3A_1197 = vector.broadcast %broadcast_in_dim3A_1196 : f32 to vector<1024x64xf32>
    %slice3A_1198 = vector.extract_strided_slice %get3A_4 {offsets = [0, 0], sizes = [1024, 1], strides = [1, 1]} : vector<1024x8xi32> to vector<1024x1xi32>
    %eq3A_1199 = arith.cmpi eq, %broadcast_in_dim3A_1192, %slice3A_1198 : vector<1024x1xi32>
    %jit3A_1200 = arith.constant 0.000000e+00 : f32
    %broadcast_in_dim3A_1201 = vector.shape_cast %eq3A_1199 : vector<1024x1xi1> to vector<1024x1xi1>
    %broadcast_in_dim3A_1202 = vector.broadcast %broadcast_in_dim3A_1201 : vector<1024x1xi1> to vector<1024x64xi1>
    %broadcast_in_dim3A_1203 = vector.broadcast %jit3A_1200 : f32 to vector<1024x64xf32>
    %select_n3A_1204 = arith.select %broadcast_in_dim3A_1202, %select_n3A, %broadcast_in_dim3A_1203 : vector<1024x64xi1>, vector<1024x64xf32>
    %add3A_1205 = arith.addf %broadcast_in_dim3A_1197, %select_n3A_1204 : vector<1024x64xf32>
    %slice3A_1206 = vector.extract_strided_slice %get3A_4 {offsets = [0, 1], sizes = [1024, 1], strides = [1, 1]} : vector<1024x8xi32> to vector<1024x1xi32>
    %eq3A_1207 = arith.cmpi eq, %broadcast_in_dim3A_1192, %slice3A_1206 : vector<1024x1xi32>
    %jit3A_1208 = arith.constant 0.000000e+00 : f32
    %broadcast_in_dim3A_1209 = vector.shape_cast %eq3A_1207 : vector<1024x1xi1> to vector<1024x1xi1>
    %broadcast_in_dim3A_1210 = vector.broadcast %broadcast_in_dim3A_1209 : vector<1024x1xi1> to vector<1024x64xi1>
    %broadcast_in_dim3A_1211 = vector.broadcast %jit3A_1208 : f32 to vector<1024x64xf32>
    %select_n3A_1212 = arith.select %broadcast_in_dim3A_1210, %select_n3A_29, %broadcast_in_dim3A_1211 : vector<1024x64xi1>, vector<1024x64xf32>
    %add3A_1213 = arith.addf %add3A_1205, %select_n3A_1212 : vector<1024x64xf32>
    %slice3A_1214 = vector.extract_strided_slice %get3A_4 {offsets = [0, 2], sizes = [1024, 1], strides = [1, 1]} : vector<1024x8xi32> to vector<1024x1xi32>
    %eq3A_1215 = arith.cmpi eq, %broadcast_in_dim3A_1192, %slice3A_1214 : vector<1024x1xi32>
    %jit3A_1216 = arith.constant 0.000000e+00 : f32
    %broadcast_in_dim3A_1217 = vector.shape_cast %eq3A_1215 : vector<1024x1xi1> to vector<1024x1xi1>
    %broadcast_in_dim3A_1218 = vector.broadcast %broadcast_in_dim3A_1217 : vector<1024x1xi1> to vector<1024x64xi1>
    %broadcast_in_dim3A_1219 = vector.broadcast %jit3A_1216 : f32 to vector<1024x64xf32>
    %select_n3A_1220 = arith.select %broadcast_in_dim3A_1218, %select_n3A_44, %broadcast_in_dim3A_1219 : vector<1024x64xi1>, vector<1024x64xf32>
    %add3A_1221 = arith.addf %add3A_1213, %select_n3A_1220 : vector<1024x64xf32>
    %slice3A_1222 = vector.extract_strided_slice %get3A_4 {offsets = [0, 3], sizes = [1024, 1], strides = [1, 1]} : vector<1024x8xi32> to vector<1024x1xi32>
    %eq3A_1223 = arith.cmpi eq, %broadcast_in_dim3A_1192, %slice3A_1222 : vector<1024x1xi32>
    %jit3A_1224 = arith.constant 0.000000e+00 : f32
    %broadcast_in_dim3A_1225 = vector.shape_cast %eq3A_1223 : vector<1024x1xi1> to vector<1024x1xi1>
    %broadcast_in_dim3A_1226 = vector.broadcast %broadcast_in_dim3A_1225 : vector<1024x1xi1> to vector<1024x64xi1>
    %broadcast_in_dim3A_1227 = vector.broadcast %jit3A_1224 : f32 to vector<1024x64xf32>
    %select_n3A_1228 = arith.select %broadcast_in_dim3A_1226, %select_n3A_59, %broadcast_in_dim3A_1227 : vector<1024x64xi1>, vector<1024x64xf32>
    %add3A_1229 = arith.addf %add3A_1221, %select_n3A_1228 : vector<1024x64xf32>
    %slice3A_1230 = vector.extract_strided_slice %get3A_4 {offsets = [0, 4], sizes = [1024, 1], strides = [1, 1]} : vector<1024x8xi32> to vector<1024x1xi32>
    %eq3A_1231 = arith.cmpi eq, %broadcast_in_dim3A_1192, %slice3A_1230 : vector<1024x1xi32>
    %jit3A_1232 = arith.constant 0.000000e+00 : f32
    %broadcast_in_dim3A_1233 = vector.shape_cast %eq3A_1231 : vector<1024x1xi1> to vector<1024x1xi1>
    %broadcast_in_dim3A_1234 = vector.broadcast %broadcast_in_dim3A_1233 : vector<1024x1xi1> to vector<1024x64xi1>
    %broadcast_in_dim3A_1235 = vector.broadcast %jit3A_1232 : f32 to vector<1024x64xf32>
    %select_n3A_1236 = arith.select %broadcast_in_dim3A_1234, %select_n3A_74, %broadcast_in_dim3A_1235 : vector<1024x64xi1>, vector<1024x64xf32>
    %add3A_1237 = arith.addf %add3A_1229, %select_n3A_1236 : vector<1024x64xf32>
    %slice3A_1238 = vector.extract_strided_slice %get3A_4 {offsets = [0, 5], sizes = [1024, 1], strides = [1, 1]} : vector<1024x8xi32> to vector<1024x1xi32>
    %eq3A_1239 = arith.cmpi eq, %broadcast_in_dim3A_1192, %slice3A_1238 : vector<1024x1xi32>
    %jit3A_1240 = arith.constant 0.000000e+00 : f32
    %broadcast_in_dim3A_1241 = vector.shape_cast %eq3A_1239 : vector<1024x1xi1> to vector<1024x1xi1>
    %broadcast_in_dim3A_1242 = vector.broadcast %broadcast_in_dim3A_1241 : vector<1024x1xi1> to vector<1024x64xi1>
    %broadcast_in_dim3A_1243 = vector.broadcast %jit3A_1240 : f32 to vector<1024x64xf32>
    %select_n3A_1244 = arith.select %broadcast_in_dim3A_1242, %select_n3A_89, %broadcast_in_dim3A_1243 : vector<1024x64xi1>, vector<1024x64xf32>
    %add3A_1245 = arith.addf %add3A_1237, %select_n3A_1244 : vector<1024x64xf32>
    %slice3A_1246 = vector.extract_strided_slice %get3A_4 {offsets = [0, 6], sizes = [1024, 1], strides = [1, 1]} : vector<1024x8xi32> to vector<1024x1xi32>
    %eq3A_1247 = arith.cmpi eq, %broadcast_in_dim3A_1192, %slice3A_1246 : vector<1024x1xi32>
    %jit3A_1248 = arith.constant 0.000000e+00 : f32
    %broadcast_in_dim3A_1249 = vector.shape_cast %eq3A_1247 : vector<1024x1xi1> to vector<1024x1xi1>
    %broadcast_in_dim3A_1250 = vector.broadcast %broadcast_in_dim3A_1249 : vector<1024x1xi1> to vector<1024x64xi1>
    %broadcast_in_dim3A_1251 = vector.broadcast %jit3A_1248 : f32 to vector<1024x64xf32>
    %select_n3A_1252 = arith.select %broadcast_in_dim3A_1250, %select_n3A_104, %broadcast_in_dim3A_1251 : vector<1024x64xi1>, vector<1024x64xf32>
    %add3A_1253 = arith.addf %add3A_1245, %select_n3A_1252 : vector<1024x64xf32>
    %slice3A_1254 = vector.extract_strided_slice %get3A_4 {offsets = [0, 7], sizes = [1024, 1], strides = [1, 1]} : vector<1024x8xi32> to vector<1024x1xi32>
    %eq3A_1255 = arith.cmpi eq, %broadcast_in_dim3A_1192, %slice3A_1254 : vector<1024x1xi32>
    %jit3A_1256 = arith.constant 0.000000e+00 : f32
    %broadcast_in_dim3A_1257 = vector.shape_cast %eq3A_1255 : vector<1024x1xi1> to vector<1024x1xi1>
    %broadcast_in_dim3A_1258 = vector.broadcast %broadcast_in_dim3A_1257 : vector<1024x1xi1> to vector<1024x64xi1>
    %broadcast_in_dim3A_1259 = vector.broadcast %jit3A_1256 : f32 to vector<1024x64xf32>
    %select_n3A_1260 = arith.select %broadcast_in_dim3A_1258, %select_n3A_119, %broadcast_in_dim3A_1259 : vector<1024x64xi1>, vector<1024x64xf32>
    %add3A_1261 = arith.addf %add3A_1253, %select_n3A_1260 : vector<1024x64xf32>
    %sub3A_1262 = arith.subf %add3A_1261, %get3A_1 : vector<1024x64xf32>
    %add3A_1263 = arith.addf %get3A_1, %sub3A_1262 : vector<1024x64xf32>
    %swap3A_1264 = arith.constant 0 : index
    %swap3A_1265 = arith.constant 0 : index
    %swap3A_1266 = vector.load %arg4[%swap3A_1264, %swap3A_1265] : memref<1024x64xf32, #tpu.memory_space<vmem>>, vector<1024x64xf32>
    tpu.vector_store %arg4[%swap3A_1264, %swap3A_1265], %add3A_1263 {strides = array<i32>} : memref<1024x64xf32, #tpu.memory_space<vmem>>, vector<1024x64xf32>,
    %sub3A_1267 = arith.subf %get3A_1, %add3A_1261 : vector<1024x64xf32>
    %integer_pow3A = arith.mulf %sub3A_1267, %sub3A_1267 : vector<1024x64xf32>
    %reduce_sum3A = vector.shape_cast %integer_pow3A : vector<1024x64xf32> to vector<1x1024x64xf32>
    %reduce_sum3A_1268 = arith.constant dense<0.000000e+00> : vector<1xf32>
    %reduce_sum3A_1269 = vector.multi_reduction <add>, %reduce_sum3A, %reduce_sum3A_1268 [1, 2] : vector<1x1024x64xf32> to vector<1xf32>
    %reduce_sum3A_1270 = vector.shape_cast %reduce_sum3A_1269 : vector<1xf32> to vector<1x1x1xf32>
    %reduce_sum3A_1271 = vector.extract %reduce_sum3A_1270[0, 0, 0] : f32 from vector<1x1x1xf32>
    %broadcast_in_dim3A_1272 = vector.broadcast %reduce_sum3A_1271 : f32 to vector<1x1xf32>
    %mul3A_1273 = arith.constant 3.81469727E-6 : f32
    %mul3A_1274 = vector.broadcast %mul3A_1273 : f32 to vector<1x1xf32>
    %mul3A_1275 = arith.mulf %mul3A_1274, %broadcast_in_dim3A_1272 : vector<1x1xf32>
    %swap3A_1276 = arith.constant 0 : index
    %swap3A_1277 = arith.constant 0 : index
    %swap3A_1278 = vector.load %arg5[%swap3A_1276, %swap3A_1277] : memref<1x1xf32, #tpu.memory_space<vmem>>, vector<1x1xf32>
    tpu.vector_store %arg5[%swap3A_1276, %swap3A_1277], %mul3A_1275 {strides = array<i32>} : memref<1x1xf32, #tpu.memory_space<vmem>>, vector<1x1xf32>,
    %broadcast_in_dim3A_1279 = arith.constant 0.000000e+00 : f32
    %broadcast_in_dim3A_1280 = vector.broadcast %broadcast_in_dim3A_1279 : f32 to vector<1x1xf32>
    %iota3A = tpu.iota {dimensions = array<i32: 1>} : vector<1x1024xi32>
    %add3A_1281 = arith.constant 0 : i32
    %add3A_1282 = vector.broadcast %add3A_1281 : i32 to vector<1x1024xi32>
    %add3A_1283 = arith.addi %iota3A, %add3A_1282 : vector<1x1024xi32>
    %eq3A_1284 = vector.broadcast %broadcast_in_dim3A_1192 : vector<1024x1xi32> to vector<1024x1024xi32>
    %eq3A_1285 = vector.broadcast %add3A_1283 : vector<1x1024xi32> to vector<1024x1024xi32>
    %eq3A_1286 = arith.cmpi eq, %eq3A_1284, %eq3A_1285 : vector<1024x1024xi32>
    %convert_element_type3A = arith.extui %eq3A_1286 : vector<1024x1024xi1> to vector<1024x1024xi32>
    %convert_element_type3A_1287 = arith.sitofp %convert_element_type3A : vector<1024x1024xi32> to vector<1024x1024xf32>
    %reduce_sum3A_1288 = arith.constant dense<0.000000e+00> : vector<1024xf32>
    %reduce_sum3A_1289 = vector.multi_reduction <add>, %convert_element_type3A_1287, %reduce_sum3A_1288 [0] : vector<1024x1024xf32> to vector<1024xf32>
    %broadcast_in_dim3A_1290 = vector.shape_cast %reduce_sum3A_1289 : vector<1024xf32> to vector<1x1024xf32>
    %mul3A_1291 = arith.constant 9.765625E-4 : f32
    %mul3A_1292 = vector.broadcast %mul3A_1291 : f32 to vector<1x1024xf32>
    %mul3A_1293 = arith.mulf %broadcast_in_dim3A_1290, %mul3A_1292 : vector<1x1024xf32>
    %add3A_1294 = arith.constant 1.000000e-10 : f32
    %add3A_1295 = vector.broadcast %add3A_1294 : f32 to vector<1x1024xf32>
    %add3A_1296 = arith.addf %mul3A_1293, %add3A_1295 : vector<1x1024xf32>
    %log3A = math.log %add3A_1296 : vector<1x1024xf32>
    %mul3A_1297 = arith.mulf %mul3A_1293, %log3A : vector<1x1024xf32>
    %reduce_sum3A_1298 = vector.shape_cast %mul3A_1297 : vector<1x1024xf32> to vector<1x1x1024xf32>
    %reduce_sum3A_1299 = arith.constant dense<0.000000e+00> : vector<1xf32>
    %reduce_sum3A_1300 = vector.multi_reduction <add>, %reduce_sum3A_1298, %reduce_sum3A_1299 [1, 2] : vector<1x1x1024xf32> to vector<1xf32>
    %reduce_sum3A_1301 = vector.shape_cast %reduce_sum3A_1300 : vector<1xf32> to vector<1x1x1xf32>
    %reduce_sum3A_1302 = vector.extract %reduce_sum3A_1301[0, 0, 0] : f32 from vector<1x1x1xf32>
    %broadcast_in_dim3A_1303 = vector.broadcast %reduce_sum3A_1302 : f32 to vector<1x1xf32>
    %add3A_1304 = arith.addf %broadcast_in_dim3A_1280, %broadcast_in_dim3A_1303 : vector<1x1xf32>
    %iota3A_1305 = tpu.iota {dimensions = array<i32: 1>} : vector<1x1024xi32>
    %add3A_1306 = arith.constant 1024 : i32
    %add3A_1307 = vector.broadcast %add3A_1306 : i32 to vector<1x1024xi32>
    %add3A_1308 = arith.addi %iota3A_1305, %add3A_1307 : vector<1x1024xi32>
    %eq3A_1309 = vector.broadcast %broadcast_in_dim3A_1192 : vector<1024x1xi32> to vector<1024x1024xi32>
    %eq3A_1310 = vector.broadcast %add3A_1308 : vector<1x1024xi32> to vector<1024x1024xi32>
    %eq3A_1311 = arith.cmpi eq, %eq3A_1309, %eq3A_1310 : vector<1024x1024xi32>
    %convert_element_type3A_1312 = arith.extui %eq3A_1311 : vector<1024x1024xi1> to vector<1024x1024xi32>
    %convert_element_type3A_1313 = arith.sitofp %convert_element_type3A_1312 : vector<1024x1024xi32> to vector<1024x1024xf32>
    %reduce_sum3A_1314 = arith.constant dense<0.000000e+00> : vector<1024xf32>
    %reduce_sum3A_1315 = vector.multi_reduction <add>, %convert_element_type3A_1313, %reduce_sum3A_1314 [0] : vector<1024x1024xf32> to vector<1024xf32>
    %broadcast_in_dim3A_1316 = vector.shape_cast %reduce_sum3A_1315 : vector<1024xf32> to vector<1x1024xf32>
    %mul3A_1317 = arith.constant 9.765625E-4 : f32
    %mul3A_1318 = vector.broadcast %mul3A_1317 : f32 to vector<1x1024xf32>
    %mul3A_1319 = arith.mulf %broadcast_in_dim3A_1316, %mul3A_1318 : vector<1x1024xf32>
    %add3A_1320 = arith.constant 1.000000e-10 : f32
    %add3A_1321 = vector.broadcast %add3A_1320 : f32 to vector<1x1024xf32>
    %add3A_1322 = arith.addf %mul3A_1319, %add3A_1321 : vector<1x1024xf32>
    %log3A_1323 = math.log %add3A_1322 : vector<1x1024xf32>
    %mul3A_1324 = arith.mulf %mul3A_1319, %log3A_1323 : vector<1x1024xf32>
    %reduce_sum3A_1325 = vector.shape_cast %mul3A_1324 : vector<1x1024xf32> to vector<1x1x1024xf32>
    %reduce_sum3A_1326 = arith.constant dense<0.000000e+00> : vector<1xf32>
    %reduce_sum3A_1327 = vector.multi_reduction <add>, %reduce_sum3A_1325, %reduce_sum3A_1326 [1, 2] : vector<1x1x1024xf32> to vector<1xf32>
    %reduce_sum3A_1328 = vector.shape_cast %reduce_sum3A_1327 : vector<1xf32> to vector<1x1x1xf32>
    %reduce_sum3A_1329 = vector.extract %reduce_sum3A_1328[0, 0, 0] : f32 from vector<1x1x1xf32>
    %broadcast_in_dim3A_1330 = vector.broadcast %reduce_sum3A_1329 : f32 to vector<1x1xf32>
    %add3A_1331 = arith.addf %add3A_1304, %broadcast_in_dim3A_1330 : vector<1x1xf32>
    %iota3A_1332 = tpu.iota {dimensions = array<i32: 1>} : vector<1x1024xi32>
    %add3A_1333 = arith.constant 2048 : i32
    %add3A_1334 = vector.broadcast %add3A_1333 : i32 to vector<1x1024xi32>
    %add3A_1335 = arith.addi %iota3A_1332, %add3A_1334 : vector<1x1024xi32>
    %eq3A_1336 = vector.broadcast %broadcast_in_dim3A_1192 : vector<1024x1xi32> to vector<1024x1024xi32>
    %eq3A_1337 = vector.broadcast %add3A_1335 : vector<1x1024xi32> to vector<1024x1024xi32>
    %eq3A_1338 = arith.cmpi eq, %eq3A_1336, %eq3A_1337 : vector<1024x1024xi32>
    %convert_element_type3A_1339 = arith.extui %eq3A_1338 : vector<1024x1024xi1> to vector<1024x1024xi32>
    %convert_element_type3A_1340 = arith.sitofp %convert_element_type3A_1339 : vector<1024x1024xi32> to vector<1024x1024xf32>
    %reduce_sum3A_1341 = arith.constant dense<0.000000e+00> : vector<1024xf32>
    %reduce_sum3A_1342 = vector.multi_reduction <add>, %convert_element_type3A_1340, %reduce_sum3A_1341 [0] : vector<1024x1024xf32> to vector<1024xf32>
    %broadcast_in_dim3A_1343 = vector.shape_cast %reduce_sum3A_1342 : vector<1024xf32> to vector<1x1024xf32>
    %mul3A_1344 = arith.constant 9.765625E-4 : f32
    %mul3A_1345 = vector.broadcast %mul3A_1344 : f32 to vector<1x1024xf32>
    %mul3A_1346 = arith.mulf %broadcast_in_dim3A_1343, %mul3A_1345 : vector<1x1024xf32>
    %add3A_1347 = arith.constant 1.000000e-10 : f32
    %add3A_1348 = vector.broadcast %add3A_1347 : f32 to vector<1x1024xf32>
    %add3A_1349 = arith.addf %mul3A_1346, %add3A_1348 : vector<1x1024xf32>
    %log3A_1350 = math.log %add3A_1349 : vector<1x1024xf32>
    %mul3A_1351 = arith.mulf %mul3A_1346, %log3A_1350 : vector<1x1024xf32>
    %reduce_sum3A_1352 = vector.shape_cast %mul3A_1351 : vector<1x1024xf32> to vector<1x1x1024xf32>
    %reduce_sum3A_1353 = arith.constant dense<0.000000e+00> : vector<1xf32>
    %reduce_sum3A_1354 = vector.multi_reduction <add>, %reduce_sum3A_1352, %reduce_sum3A_1353 [1, 2] : vector<1x1x1024xf32> to vector<1xf32>
    %reduce_sum3A_1355 = vector.shape_cast %reduce_sum3A_1354 : vector<1xf32> to vector<1x1x1xf32>
    %reduce_sum3A_1356 = vector.extract %reduce_sum3A_1355[0, 0, 0] : f32 from vector<1x1x1xf32>
    %broadcast_in_dim3A_1357 = vector.broadcast %reduce_sum3A_1356 : f32 to vector<1x1xf32>
    %add3A_1358 = arith.addf %add3A_1331, %broadcast_in_dim3A_1357 : vector<1x1xf32>
    %iota3A_1359 = tpu.iota {dimensions = array<i32: 1>} : vector<1x1024xi32>
    %add3A_1360 = arith.constant 3072 : i32
    %add3A_1361 = vector.broadcast %add3A_1360 : i32 to vector<1x1024xi32>
    %add3A_1362 = arith.addi %iota3A_1359, %add3A_1361 : vector<1x1024xi32>
    %eq3A_1363 = vector.broadcast %broadcast_in_dim3A_1192 : vector<1024x1xi32> to vector<1024x1024xi32>
    %eq3A_1364 = vector.broadcast %add3A_1362 : vector<1x1024xi32> to vector<1024x1024xi32>
    %eq3A_1365 = arith.cmpi eq, %eq3A_1363, %eq3A_1364 : vector<1024x1024xi32>
    %convert_element_type3A_1366 = arith.extui %eq3A_1365 : vector<1024x1024xi1> to vector<1024x1024xi32>
    %convert_element_type3A_1367 = arith.sitofp %convert_element_type3A_1366 : vector<1024x1024xi32> to vector<1024x1024xf32>
    %reduce_sum3A_1368 = arith.constant dense<0.000000e+00> : vector<1024xf32>
    %reduce_sum3A_1369 = vector.multi_reduction <add>, %convert_element_type3A_1367, %reduce_sum3A_1368 [0] : vector<1024x1024xf32> to vector<1024xf32>
    %broadcast_in_dim3A_1370 = vector.shape_cast %reduce_sum3A_1369 : vector<1024xf32> to vector<1x1024xf32>
    %mul3A_1371 = arith.constant 9.765625E-4 : f32
    %mul3A_1372 = vector.broadcast %mul3A_1371 : f32 to vector<1x1024xf32>
    %mul3A_1373 = arith.mulf %broadcast_in_dim3A_1370, %mul3A_1372 : vector<1x1024xf32>
    %add3A_1374 = arith.constant 1.000000e-10 : f32
    %add3A_1375 = vector.broadcast %add3A_1374 : f32 to vector<1x1024xf32>
    %add3A_1376 = arith.addf %mul3A_1373, %add3A_1375 : vector<1x1024xf32>
    %log3A_1377 = math.log %add3A_1376 : vector<1x1024xf32>
    %mul3A_1378 = arith.mulf %mul3A_1373, %log3A_1377 : vector<1x1024xf32>
    %reduce_sum3A_1379 = vector.shape_cast %mul3A_1378 : vector<1x1024xf32> to vector<1x1x1024xf32>
    %reduce_sum3A_1380 = arith.constant dense<0.000000e+00> : vector<1xf32>
    %reduce_sum3A_1381 = vector.multi_reduction <add>, %reduce_sum3A_1379, %reduce_sum3A_1380 [1, 2] : vector<1x1x1024xf32> to vector<1xf32>
    %reduce_sum3A_1382 = vector.shape_cast %reduce_sum3A_1381 : vector<1xf32> to vector<1x1x1xf32>
    %reduce_sum3A_1383 = vector.extract %reduce_sum3A_1382[0, 0, 0] : f32 from vector<1x1x1xf32>
    %broadcast_in_dim3A_1384 = vector.broadcast %reduce_sum3A_1383 : f32 to vector<1x1xf32>
    %add3A_1385 = arith.addf %add3A_1358, %broadcast_in_dim3A_1384 : vector<1x1xf32>
    %iota3A_1386 = tpu.iota {dimensions = array<i32: 1>} : vector<1x1024xi32>
    %add3A_1387 = arith.constant 4096 : i32
    %add3A_1388 = vector.broadcast %add3A_1387 : i32 to vector<1x1024xi32>
    %add3A_1389 = arith.addi %iota3A_1386, %add3A_1388 : vector<1x1024xi32>
    %eq3A_1390 = vector.broadcast %broadcast_in_dim3A_1192 : vector<1024x1xi32> to vector<1024x1024xi32>
    %eq3A_1391 = vector.broadcast %add3A_1389 : vector<1x1024xi32> to vector<1024x1024xi32>
    %eq3A_1392 = arith.cmpi eq, %eq3A_1390, %eq3A_1391 : vector<1024x1024xi32>
    %convert_element_type3A_1393 = arith.extui %eq3A_1392 : vector<1024x1024xi1> to vector<1024x1024xi32>
    %convert_element_type3A_1394 = arith.sitofp %convert_element_type3A_1393 : vector<1024x1024xi32> to vector<1024x1024xf32>
    %reduce_sum3A_1395 = arith.constant dense<0.000000e+00> : vector<1024xf32>
    %reduce_sum3A_1396 = vector.multi_reduction <add>, %convert_element_type3A_1394, %reduce_sum3A_1395 [0] : vector<1024x1024xf32> to vector<1024xf32>
    %broadcast_in_dim3A_1397 = vector.shape_cast %reduce_sum3A_1396 : vector<1024xf32> to vector<1x1024xf32>
    %mul3A_1398 = arith.constant 9.765625E-4 : f32
    %mul3A_1399 = vector.broadcast %mul3A_1398 : f32 to vector<1x1024xf32>
    %mul3A_1400 = arith.mulf %broadcast_in_dim3A_1397, %mul3A_1399 : vector<1x1024xf32>
    %add3A_1401 = arith.constant 1.000000e-10 : f32
    %add3A_1402 = vector.broadcast %add3A_1401 : f32 to vector<1x1024xf32>
    %add3A_1403 = arith.addf %mul3A_1400, %add3A_1402 : vector<1x1024xf32>
    %log3A_1404 = math.log %add3A_1403 : vector<1x1024xf32>
    %mul3A_1405 = arith.mulf %mul3A_1400, %log3A_1404 : vector<1x1024xf32>
    %reduce_sum3A_1406 = vector.shape_cast %mul3A_1405 : vector<1x1024xf32> to vector<1x1x1024xf32>
    %reduce_sum3A_1407 = arith.constant dense<0.000000e+00> : vector<1xf32>
    %reduce_sum3A_1408 = vector.multi_reduction <add>, %reduce_sum3A_1406, %reduce_sum3A_1407 [1, 2] : vector<1x1x1024xf32> to vector<1xf32>
    %reduce_sum3A_1409 = vector.shape_cast %reduce_sum3A_1408 : vector<1xf32> to vector<1x1x1xf32>
    %reduce_sum3A_1410 = vector.extract %reduce_sum3A_1409[0, 0, 0] : f32 from vector<1x1x1xf32>
    %broadcast_in_dim3A_1411 = vector.broadcast %reduce_sum3A_1410 : f32 to vector<1x1xf32>
    %add3A_1412 = arith.addf %add3A_1385, %broadcast_in_dim3A_1411 : vector<1x1xf32>
    %iota3A_1413 = tpu.iota {dimensions = array<i32: 1>} : vector<1x1024xi32>
    %add3A_1414 = arith.constant 5120 : i32
    %add3A_1415 = vector.broadcast %add3A_1414 : i32 to vector<1x1024xi32>
    %add3A_1416 = arith.addi %iota3A_1413, %add3A_1415 : vector<1x1024xi32>
    %eq3A_1417 = vector.broadcast %broadcast_in_dim3A_1192 : vector<1024x1xi32> to vector<1024x1024xi32>
    %eq3A_1418 = vector.broadcast %add3A_1416 : vector<1x1024xi32> to vector<1024x1024xi32>
    %eq3A_1419 = arith.cmpi eq, %eq3A_1417, %eq3A_1418 : vector<1024x1024xi32>
    %convert_element_type3A_1420 = arith.extui %eq3A_1419 : vector<1024x1024xi1> to vector<1024x1024xi32>
    %convert_element_type3A_1421 = arith.sitofp %convert_element_type3A_1420 : vector<1024x1024xi32> to vector<1024x1024xf32>
    %reduce_sum3A_1422 = arith.constant dense<0.000000e+00> : vector<1024xf32>
    %reduce_sum3A_1423 = vector.multi_reduction <add>, %convert_element_type3A_1421, %reduce_sum3A_1422 [0] : vector<1024x1024xf32> to vector<1024xf32>
    %broadcast_in_dim3A_1424 = vector.shape_cast %reduce_sum3A_1423 : vector<1024xf32> to vector<1x1024xf32>
    %mul3A_1425 = arith.constant 9.765625E-4 : f32
    %mul3A_1426 = vector.broadcast %mul3A_1425 : f32 to vector<1x1024xf32>
    %mul3A_1427 = arith.mulf %broadcast_in_dim3A_1424, %mul3A_1426 : vector<1x1024xf32>
    %add3A_1428 = arith.constant 1.000000e-10 : f32
    %add3A_1429 = vector.broadcast %add3A_1428 : f32 to vector<1x1024xf32>
    %add3A_1430 = arith.addf %mul3A_1427, %add3A_1429 : vector<1x1024xf32>
    %log3A_1431 = math.log %add3A_1430 : vector<1x1024xf32>
    %mul3A_1432 = arith.mulf %mul3A_1427, %log3A_1431 : vector<1x1024xf32>
    %reduce_sum3A_1433 = vector.shape_cast %mul3A_1432 : vector<1x1024xf32> to vector<1x1x1024xf32>
    %reduce_sum3A_1434 = arith.constant dense<0.000000e+00> : vector<1xf32>
    %reduce_sum3A_1435 = vector.multi_reduction <add>, %reduce_sum3A_1433, %reduce_sum3A_1434 [1, 2] : vector<1x1x1024xf32> to vector<1xf32>
    %reduce_sum3A_1436 = vector.shape_cast %reduce_sum3A_1435 : vector<1xf32> to vector<1x1x1xf32>
    %reduce_sum3A_1437 = vector.extract %reduce_sum3A_1436[0, 0, 0] : f32 from vector<1x1x1xf32>
    %broadcast_in_dim3A_1438 = vector.broadcast %reduce_sum3A_1437 : f32 to vector<1x1xf32>
    %add3A_1439 = arith.addf %add3A_1412, %broadcast_in_dim3A_1438 : vector<1x1xf32>
    %iota3A_1440 = tpu.iota {dimensions = array<i32: 1>} : vector<1x1024xi32>
    %add3A_1441 = arith.constant 6144 : i32
    %add3A_1442 = vector.broadcast %add3A_1441 : i32 to vector<1x1024xi32>
    %add3A_1443 = arith.addi %iota3A_1440, %add3A_1442 : vector<1x1024xi32>
    %eq3A_1444 = vector.broadcast %broadcast_in_dim3A_1192 : vector<1024x1xi32> to vector<1024x1024xi32>
    %eq3A_1445 = vector.broadcast %add3A_1443 : vector<1x1024xi32> to vector<1024x1024xi32>
    %eq3A_1446 = arith.cmpi eq, %eq3A_1444, %eq3A_1445 : vector<1024x1024xi32>
    %convert_element_type3A_1447 = arith.extui %eq3A_1446 : vector<1024x1024xi1> to vector<1024x1024xi32>
    %convert_element_type3A_1448 = arith.sitofp %convert_element_type3A_1447 : vector<1024x1024xi32> to vector<1024x1024xf32>
    %reduce_sum3A_1449 = arith.constant dense<0.000000e+00> : vector<1024xf32>
    %reduce_sum3A_1450 = vector.multi_reduction <add>, %convert_element_type3A_1448, %reduce_sum3A_1449 [0] : vector<1024x1024xf32> to vector<1024xf32>
    %broadcast_in_dim3A_1451 = vector.shape_cast %reduce_sum3A_1450 : vector<1024xf32> to vector<1x1024xf32>
    %mul3A_1452 = arith.constant 9.765625E-4 : f32
    %mul3A_1453 = vector.broadcast %mul3A_1452 : f32 to vector<1x1024xf32>
    %mul3A_1454 = arith.mulf %broadcast_in_dim3A_1451, %mul3A_1453 : vector<1x1024xf32>
    %add3A_1455 = arith.constant 1.000000e-10 : f32
    %add3A_1456 = vector.broadcast %add3A_1455 : f32 to vector<1x1024xf32>
    %add3A_1457 = arith.addf %mul3A_1454, %add3A_1456 : vector<1x1024xf32>
    %log3A_1458 = math.log %add3A_1457 : vector<1x1024xf32>
    %mul3A_1459 = arith.mulf %mul3A_1454, %log3A_1458 : vector<1x1024xf32>
    %reduce_sum3A_1460 = vector.shape_cast %mul3A_1459 : vector<1x1024xf32> to vector<1x1x1024xf32>
    %reduce_sum3A_1461 = arith.constant dense<0.000000e+00> : vector<1xf32>
    %reduce_sum3A_1462 = vector.multi_reduction <add>, %reduce_sum3A_1460, %reduce_sum3A_1461 [1, 2] : vector<1x1x1024xf32> to vector<1xf32>
    %reduce_sum3A_1463 = vector.shape_cast %reduce_sum3A_1462 : vector<1xf32> to vector<1x1x1xf32>
    %reduce_sum3A_1464 = vector.extract %reduce_sum3A_1463[0, 0, 0] : f32 from vector<1x1x1xf32>
    %broadcast_in_dim3A_1465 = vector.broadcast %reduce_sum3A_1464 : f32 to vector<1x1xf32>
    %add3A_1466 = arith.addf %add3A_1439, %broadcast_in_dim3A_1465 : vector<1x1xf32>
    %iota3A_1467 = tpu.iota {dimensions = array<i32: 1>} : vector<1x1024xi32>
    %add3A_1468 = arith.constant 7168 : i32
    %add3A_1469 = vector.broadcast %add3A_1468 : i32 to vector<1x1024xi32>
    %add3A_1470 = arith.addi %iota3A_1467, %add3A_1469 : vector<1x1024xi32>
    %eq3A_1471 = vector.broadcast %broadcast_in_dim3A_1192 : vector<1024x1xi32> to vector<1024x1024xi32>
    %eq3A_1472 = vector.broadcast %add3A_1470 : vector<1x1024xi32> to vector<1024x1024xi32>
    %eq3A_1473 = arith.cmpi eq, %eq3A_1471, %eq3A_1472 : vector<1024x1024xi32>
    %convert_element_type3A_1474 = arith.extui %eq3A_1473 : vector<1024x1024xi1> to vector<1024x1024xi32>
    %convert_element_type3A_1475 = arith.sitofp %convert_element_type3A_1474 : vector<1024x1024xi32> to vector<1024x1024xf32>
    %reduce_sum3A_1476 = arith.constant dense<0.000000e+00> : vector<1024xf32>
    %reduce_sum3A_1477 = vector.multi_reduction <add>, %convert_element_type3A_1475, %reduce_sum3A_1476 [0] : vector<1024x1024xf32> to vector<1024xf32>
    %broadcast_in_dim3A_1478 = vector.shape_cast %reduce_sum3A_1477 : vector<1024xf32> to vector<1x1024xf32>
    %mul3A_1479 = arith.constant 9.765625E-4 : f32
    %mul3A_1480 = vector.broadcast %mul3A_1479 : f32 to vector<1x1024xf32>
    %mul3A_1481 = arith.mulf %broadcast_in_dim3A_1478, %mul3A_1480 : vector<1x1024xf32>
    %add3A_1482 = arith.constant 1.000000e-10 : f32
    %add3A_1483 = vector.broadcast %add3A_1482 : f32 to vector<1x1024xf32>
    %add3A_1484 = arith.addf %mul3A_1481, %add3A_1483 : vector<1x1024xf32>
    %log3A_1485 = math.log %add3A_1484 : vector<1x1024xf32>
    %mul3A_1486 = arith.mulf %mul3A_1481, %log3A_1485 : vector<1x1024xf32>
    %reduce_sum3A_1487 = vector.shape_cast %mul3A_1486 : vector<1x1024xf32> to vector<1x1x1024xf32>
    %reduce_sum3A_1488 = arith.constant dense<0.000000e+00> : vector<1xf32>
    %reduce_sum3A_1489 = vector.multi_reduction <add>, %reduce_sum3A_1487, %reduce_sum3A_1488 [1, 2] : vector<1x1x1024xf32> to vector<1xf32>
    %reduce_sum3A_1490 = vector.shape_cast %reduce_sum3A_1489 : vector<1xf32> to vector<1x1x1xf32>
    %reduce_sum3A_1491 = vector.extract %reduce_sum3A_1490[0, 0, 0] : f32 from vector<1x1x1xf32>
    %broadcast_in_dim3A_1492 = vector.broadcast %reduce_sum3A_1491 : f32 to vector<1x1xf32>
    %add3A_1493 = arith.addf %add3A_1466, %broadcast_in_dim3A_1492 : vector<1x1xf32>
    %neg3A = arith.constant 0.000000e+00 : f32
    %neg3A_1494 = vector.broadcast %neg3A : f32 to vector<1x1xf32>
    %neg3A_1495 = arith.subf %neg3A_1494, %add3A_1493 : vector<1x1xf32>
    %exp3A = math.exp %neg3A_1495 : vector<1x1xf32>
    %swap3A_1496 = arith.constant 0 : index
    %swap3A_1497 = arith.constant 0 : index
    %swap3A_1498 = vector.load %arg6[%swap3A_1496, %swap3A_1497] : memref<1x1xf32, #tpu.memory_space<vmem>>, vector<1x1xf32>
    tpu.vector_store %arg6[%swap3A_1496, %swap3A_1497], %exp3A {strides = array<i32>} : memref<1x1xf32, #tpu.memory_space<vmem>>, vector<1x1xf32>,
    return
  }
}

</mosaic_0001>

<sc_bundles>
// kernel: kernel.5.cloned.1.call-start
scs
__scs_entry_jumppad:
0x0: {  	(pc) =	sbr.rel $0x88, $3  }
0x1: {  	(tag) =	ssettag $0x0;
	lr =	simm.s32 $0x1  }
0x2: {  	[smem:$0x3F9F] =	sst lr;
	_ =	strace $0xD0000000  }
0x3: {  	_ = 	snop  }
0x4: {  	_ = 	snop  }
0x5: {  	_ = 	snop  }
0x6: {  	_ = 	snop  }
0x7: {  	_ = 	snop  }
__scs_overlays_trampoline_lowered:
0x8: {  	[smem:$0x3FAE] =	sst s0  }
0x9: {  	[smem:$0x3FAF] =	sst s1  }
0xa: {  	[smem:$0x3FB0] =	sst s2  }
0xb: {  	[smem:$0x3FB1] =	sst s3  }
0xc: {  	[smem:$0x3FB2] =	sst s4  }
0xd: {  	[smem:$0x3FB3] =	sst s5  }
0xe: {  	[smem:$0x3FB4] =	sst s6  }
0xf: {  	[smem:$0x3FB5] =	sst s7  }
0x10: {  	[smem:$0x3FB6] =	sst s8  }
0x11: {  	[smem:$0x3FB7] =	sst s9;
	s0 =	simm.s32 @!p0 $0x0  }
0x12: {  	s1 =	sld [smem:$0x3F9D];
	s0 =	simm.s32 @p0 $0x1  }
0x13: {  	[smem:$0x3FB8] =	sst s0;
	s0 =	simm.s32 @!p1 $0x0  }
0x14: {  	s2 =	sld [smem:$0x3F9C];
	s0 =	simm.s32 @p1 $0x1  }
0x15: {  	[smem:$0x3FB9] =	sst s0;
	s0 =	simm.s32 @!p2 $0x0  }
0x16: {  	s3 =	sld [smem:$0x3FDB];
	s0 =	simm.s32 @p2 $0x1  }
0x17: {  	s4 =	simm.s32 $0x1BF5;
	[smem:$0x3FBB] =	sst s0  }
0x18: {  	s0 =	sld [smem:$0x3F9E];
	_ =	swait.ge [sflag:s4], $0x0  }
0x19: {  	s7 =	sld [smem:$0x3F9F]  }
0x1a: {  	s8 =	sadd.s32 $0xFFFFE003, lr  }
0x1b: {  	s9 =	sadd.s32 $0xFFFFFEF7, lr;
	s5 =	simm.s32 $0xFFFFFFFF;
	p2 =	slt.u32 s8, $0xFFFFF086  }
0x1c: {  	p1 =	slt.u32 s9, $0xF7A;
	s5 =	simm.s32 @!p2 $0x0  }
0x1d: {  	s5 =	simm.s32 @p1 $0x1;
	p0 =	seq.s32 s7, s2  }
0x1e: {  	s7 =	smul.u32 @!p0 $0xF7A, s2;
	p2 =	seq.s32 @!p0 s5, $0x0  }
0x1f: {  	s9 =	smul.u32 $0xF7A, s1;
	s8 =	simm.s32 @!p0 $0x1BF5;
	p2 =	por !p2, p0  }
0x20: {  	[sflag:s8] =	ssyncset.s32 @!p0 $0xFFFFF086;
	s6 =	sadd.s32 @!p0 s3, s7;
	s7 =	simm.s32 @!p0 $0x108  }
0x21: {  	s3 =	sadd.s32 s3, s9;
	s6 =	sadd.s32 @!p0 $0x88, s6;
	s7 =	simm.s32 @p2 $0x1082  }
0x22: {  	[simem:s7], [sflag:s8] =	dma.local @!p0 [hbm:s6], $0xF7A  }
0x23: {  	s9 =	sor.u32 $0xD0000000, s2;
	s6 =	simm.s32 $0x108;
	_ =	swait.ge @!p0 [sflag:s8], $0x0  }
0x24: {  	s3 =	sadd.s32 $0x88, s3;
	s6 =	simm.s32 @!p1 $0x1082;
	[sflag:s4] =	ssyncset.s32 $0xFFFFF086  }
0x25: {  	[simem:s6], [sflag:s4] =	dma.local [hbm:s3], $0xF7A  }
0x26: {  	[smem:$0x3F9F] =	sst s1;
	(tag) =	ssettag s2;
	_ =	strace s9  }
0x27: {  	s1 =	sld [smem:$0x3FAF]  }
0x28: {  	s2 =	sld [smem:$0x3FB0]  }
0x29: {  	s4 =	sld [smem:$0x3FB2]  }
0x2a: {  	p0 =	seq.s32 s5, $0x0;
	s5 =	sld [smem:$0x3FB3]  }
0x2b: {  	s6 =	sld [smem:$0x3FB4]  }
0x2c: {  	s7 =	sld [smem:$0x3FB5]  }
0x2d: {  	s3 =	simm.s32 $0x108;
	s8 =	sld [smem:$0x3FB6]  }
0x2e: {  	s3 =	simm.s32 @!p0 $0x1082;
	s9 =	sld [smem:$0x3FB7]  }
0x2f: {  	lr =	sadd.s32 s0, s3;
	s0 =	sld [smem:$0x3FAE]  }
0x30: {  	s3 =	sld [smem:$0x3FB1]  }
0x31: {  	[smem:$0x3FBA] =	sst s10  }
0x32: {  	s10 =	sld [smem:$0x3FB8];
	_ =	sdelay $0x3  }
0x33: {  	p0 =	seq.s32 s10, $0x1;
	s10 =	sld [smem:$0x3FBA];
	_ =	sdelay $0x3  }
0x34: {  	[smem:$0x3FBA] =	sst s10  }
0x35: {  	s10 =	sld [smem:$0x3FB9];
	_ =	sdelay $0x3  }
0x36: {  	p1 =	seq.s32 s10, $0x1;
	s10 =	sld [smem:$0x3FBA];
	_ =	sdelay $0x3  }
0x37: {  	[smem:$0x3FBA] =	sst s10  }
0x38: {  	s10 =	sld [smem:$0x3FBB]  }
0x39: {  	_ = 	snop;
	(pc) =	sbr.ind lr, $3  }
0x3a: {  	_ = 	snop  }
0x3b: {  	_ = 	snop  }
0x3c: {  	p2 =	seq.s32 s10, $0x1;
	s10 =	sld [smem:$0x3FBA]  }
0x3d: {  	_ =	shalt  }
0x3e: {  	_ =	shalt  }
0x3f: {  	_ =	shalt  }
0x40: {  	_ =	shalt  }
0x41: {  	_ =	shalt  }
0x42: {  	_ =	shalt  }
0x43: {  	_ =	shalt  }
0x44: {  	_ =	shalt  }
0x45: {  	_ =	shalt  }
0x46: {  	_ =	shalt  }
0x47: {  	_ =	shalt  }
0x48: {  	_ =	shalt  }
0x49: {  	_ =	shalt  }
0x4a: {  	_ =	shalt  }
0x4b: {  	_ =	shalt  }
0x4c: {  	_ =	shalt  }
0x4d: {  	_ =	shalt  }
0x4e: {  	_ =	shalt  }
0x4f: {  	_ =	shalt  }
0x50: {  	_ =	shalt  }
0x51: {  	_ =	shalt  }
0x52: {  	_ =	shalt  }
0x53: {  	_ =	shalt  }
0x54: {  	_ =	shalt  }
0x55: {  	_ =	shalt  }
0x56: {  	_ =	shalt  }
0x57: {  	_ =	shalt  }
0x58: {  	_ =	shalt  }
0x59: {  	_ =	shalt  }
0x5a: {  	_ =	shalt  }
0x5b: {  	_ =	shalt  }
0x5c: {  	_ =	shalt  }
0x5d: {  	_ =	shalt  }
0x5e: {  	_ =	shalt  }
0x5f: {  	_ =	shalt  }
0x60: {  	_ =	shalt  }
0x61: {  	_ =	shalt  }
0x62: {  	_ =	shalt  }
0x63: {  	_ =	shalt  }
0x64: {  	_ =	shalt  }
0x65: {  	_ =	shalt  }
0x66: {  	_ =	shalt  }
0x67: {  	_ =	shalt  }
0x68: {  	_ =	shalt  }
0x69: {  	_ =	shalt  }
0x6a: {  	_ =	shalt  }
0x6b: {  	_ =	shalt  }
0x6c: {  	_ =	shalt  }
0x6d: {  	_ =	shalt  }
0x6e: {  	_ =	shalt  }
0x6f: {  	_ =	shalt  }
0x70: {  	_ =	shalt  }
0x71: {  	_ =	shalt  }
0x72: {  	_ =	shalt  }
0x73: {  	_ =	shalt  }
0x74: {  	_ =	shalt  }
0x75: {  	_ =	shalt  }
0x76: {  	_ =	shalt  }
0x77: {  	_ =	shalt  }
0x78: {  	_ =	shalt  }
0x79: {  	_ =	shalt  }
0x7a: {  	_ =	shalt  }
0x7b: {  	_ =	shalt  }
0x7c: {  	_ =	shalt  }
0x7d: {  	_ =	shalt  }
0x7e: {  	_ =	shalt  }
0x7f: {  	_ =	shalt  }
0x80: {  	_ =	shalt  }
0x81: {  	_ =	shalt  }
0x82: {  	_ =	shalt  }
0x83: {  	_ =	shalt  }
0x84: {  	_ =	shalt  }
0x85: {  	_ =	shalt  }
0x86: {  	_ =	shalt  }
0x87: {  	_ =	shalt  }
.Lfunc_end0:
.L_simem_size_0:
called_computation_lowered:
.L_overlay_start_0:
0x88: {  	s2 =	sld [smem:$0x3FD9]  }
0x89: {  	s3 =	sld [smem:$0x3FFE];
	_ =	sdelay $0x1  }
0x8a: {  	s1 =	srdreg.scid  }
0x8b: {  	s0 =	sand.u32 $0x1, s1  }
0x8c: {  	s14 =	sshll.u32 s0, $0xA;
	s2 =	sadd.s32 s3, s2  }
0x8d: {  	s2 =	sadd.s32 s2, s14  }
0x8e: {  	[smem:$0x3FC6] =	sst s2  }
0x8f: {  	_ = 	snop  }
0x90: {  	s2 =	sld [smem:$0x3FD0];
	_ =	sdelay $0x2  }
0x91: {  	s15 =	simm.s32 $0xA;
	s4 =	simm.s32 $0x10  }
0x92: {  	[smem:s4], [sflag:s15] =	dma.local [hbm:s2], $0x1  }
0x93: {  	_ =	swait.eq [sflag:s15], $0x1  }
0x94: {  	[sflag:s15] =	ssyncset.done $0x0  }
0x95: {  	[sflag:s15] =	ssyncadd.s32 $0xFFFFFFFF  }
0x96: {  	s16 =	sld [smem:$0x10];
	(tm) =	ssettm $0x1  }
0x97: {  	s17 =	sld [smem:$0x3FFB];
	_ =	sdelay $0x3  }
0x98: {  	_ =	strace s17  }
0x99: {  	s3 =	sld [smem:$0x3FFC];
	_ =	sdelay $0x3  }
0x9a: {  	_ =	strace s3  }
0x9b: {  	s3 =	sld [smem:$0x3FFD];
	_ =	sdelay $0x3  }
0x9c: {  	_ =	strace s3  }
0x9d: {  	_ =	strace $0x8FFFFFFF  }
0x9e: {  	s18 =	sld [smem:$0x3FDB];
	_ =	sdelay $0x1  }
0x9f: {  	s19 =	simm.s32 $_scs_section_size  }
0xa0: {  	s5 =	simm.s32 $_size__tile_overlayer_lowered;
	s6 =	simm.s32 $_tile_overlayer_lowered  }
0xa1: {  	s22 =	simm.s32 $0x1BFF;
	s21 =	sshll.u32 s6, $0x1;
	s3 =	sadd.s32 s19, s18  }
0xa2: {  	s7 =	simm.s32 $0x0;
	s20 =	sshll.u32 s5, $0x1;
	s5 =	sadd.s32 s21, s3  }
0xa3: {  	[timem:s7], [sflag:s22] =	dma.local [hbm:s5], s20  }
0xa4: {  	_ =	swait.ge [sflag:s22], s20  }
0xa5: {  	s4 =	ssub.s32 $0x0, s20;
	[sflag:s22] =	ssyncset.done $0x0  }
0xa6: {  	[sflag:s22] =	ssyncadd.s32 s4;
	_ =	sdelay $0x1  }
0xa7: {  	s23 =	simm.s32 $0x1B8B  }
0xa8: {  	_ =	swait.ge [sflag:s23], $0x1  }
0xa9: {  	[sflag:s23] =	ssyncset.done $0x0  }
0xaa: {  	s25 =	simm.s32 $0x1B8E;
	s24 =	sld [smem:$0x3FFE];
	[sflag:s23] =	ssyncadd.s32 $0xFFFFFFFF  }
0xab: {  	s26 =	simm.s32 $execute0_lowered;
	[smem:$0x3FD2] =	sst s25  }
0xac: {  	s5 =	sshll.u32 s26, $0x1;
	_ =	strace $0x80000046;
	[dreg:$0x1] =	wrdreg $0xFFFFFFFF  }
0xad: {  	s28 =	simm.s32 $_size_execute0_lowered;
	s3 =	sadd.s32 s3, s5;
	[dreg:$0x0] =	wrdreg $0x0  }
0xae: {  	s5 =	sshll.u32 s28, $0x1;
	[dreg:$0x2] =	wrdreg s3  }
0xaf: {  	[dreg:$0x3] =	wrdreg s5  }
0xb0: {  	[dreg:$0x4] =	wrdreg $0xC0  }
0xb1: {  	_ =	task [dreg:s7], $0x5FFFF  }
0xb2: {  	[dreg:$0x1] =	wrdreg $0xFFFFFFFF  }
0xb3: {  	[dreg:$0x0] =	wrdreg $0x60  }
0xb4: {  	[dreg:$0x2] =	wrdreg s24  }
0xb5: {  	[dreg:$0x3] =	wrdreg s16  }
0xb6: {  	[dreg:$0x4] =	wrdreg $0x9  }
0xb7: {  	_ =	task.clear_ibuf [dreg:s7], $0x5FFFF;
	_ =	strace $0x90000046  }
0xb8: {  	s29 =	simm.s32 $0x9;
	_ =	strace $0x80000048  }
0xb9: {  	_ =	swait.ge [sflag:s29], $0x1  }
0xba: {  	[sflag:s29] =	ssyncadd.s32 $0xFFFFFFFF  }
0xbb: {  	_ =	strace $0x90000048  }
0xbc: {  	_ =	sfence  }
0xbd: {  	s30 =	sld [smem:$0x0];
	_ =	sdelay $0x2  }
0xbe: {  	s31 =	sshll.u32 s1, $0xD;
	s1 =	sshrl.u32 s1, $0x2  }
0xbf: {  	s3 =	sand.u32 $0x4000, s31;
	s1 =	sadd.s32 s1, s30  }
0xc0: {  	s0 =	sor.u32 s3, s0;
	s1 =	sshll.u32 s1, $0x11  }
0xc1: {  	s0 =	sor.u32 s1, s0  }
0xc2: {  	s0 =	sadd.s32 $0x8F2B, s0  }
0xc3: {  	[sflag:s0] =	ssyncadd.remote.s32 $0x1  }
0xc4: {  	_ =	sfence.sel $0xFFFF  }
0xc5: {  	[dreg:$0x0] =	wrdreg $0xFFFFFFFF;
	(pc) =	sbr.abs _section_cstart, $3  }
0xc6: {  	[dreg:$0x1] =	wrdreg $0xFFFFFFFF  }
0xc7: {  	_ =	task.clear_ibuf [dreg:s7], $0x2FFFF;
	_ =	strace $0x9FFFFFFF  }
0xc8: {  	(tm) =	ssettm $0x7FFFFFFF  }
0xc9: {  	_ =	shalt  }
tec
execute0_lowered:
.L_overlay_start_1:
0x0: {  	(tag) =	ssettag $0x1  }
0x1: {  	s1 =	srdreg.scid  }
0x2: {  	s8 =	rddreg [dreg:$0x0];
	s0 =	stileid.u32  }
0x3: {  	s3 =	rddreg [dreg:$0x1];
	s2 =	simm.s32 $0x0;
	s6 =	sand.u32 $0x1, s1  }
0x4: {  	s4 =	sshll.u32 s0, $0x9;
	s1 =	rddreg [dreg:$0x2];
	s5 =	sshll.u32 s6, $0x8  }
0x5: {  	s7 =	simm.s32 $0x1;
	[smem:$0x7FF] =	sst s2;
	s9 =	sor.u32 s5, s4  }
0x6: {  	_ =	strace $0x80000047;
	s10 =	ssub.s32 $0x2, s6;
	s4 =	sshrl.u32 s9, $0x3  }
0x7: {  	s6 =	simm.s32 $0x100;
	s4 =	sadd.s32 s3, s4;
	s3 =	simm.s32 $0x2  }
0x8: {  	[tilespmem:s2], [sflag:$0x2] =	stream.linear.gather [hbm4b:s4+s2], $0x100, $0x38;
	[tilespmem:$0x8100] =	vst v63  }
0x9: {  	s5 =	sadd.s32 $0xA00, s8;
	s11 =	sshrl.u32 s10, $0x1;
	_ =	swait.ge [sflag:s3], $0x100  }
0xa: {  	s9 =	sshll.u32 s9, $0x4;
	s31 =	ssub.s32 s10, s11;
	[sflag:s3] =	ssyncset.done $0x0  }
0xb: {  	s8 =	sadd.s32 s9, s8;
	s9 =	smax.u32 s31, $0x1;
	[sflag:s3] =	ssyncadd.s32 $0xFFFFFF00  }
0xc: {  	[tilespmem:s6], [sflag:$0x1] =	stream.indirect.gather [hbm4b:s5+s6], $0x80, s2, s6, $0xb8;
	[tilespmem:$0x8100] =	vst v63  }
0xd: {  	p0 =	sne.s32 s9, $0x1;
	_ =	swait.ge [sflag:s7], $0x8000  }
.Ltmp0:
0xe: {  	[sflag:s7] =	ssyncset.done $0x0;
	(pc) =	sbr.rel @!p0 .LBB2_2-.Ltmp0, $4  }
0xf: {  	s8 =	sadd.s32 $0x10A00, s8;
	[sflag:s7] =	ssyncadd.s32 $0xFFFF8000  }
0x10: {  	[hbm4b:s8+s2] =	stream.linear.scatter [tilespmem:s6], [sflag:$0x2], $0x8000, $0x38;
	[tilespmem:$0x8100] =	vst v63  }
0x11: {  	_ =	swait.ge [sflag:s3], $0x8000  }
0x12: {  	s9 =	sadd.s32 $0xFFFFFFFF, s9;
	[sflag:s3] =	ssyncset.done $0x0  }
.LBB2_1:
0x13: {  	p0 =	sne.s32 s9, $0x1;
	s9 =	sadd.s32 $0xFFFFFFFF, s9;
	[sflag:s3] =	ssyncadd.s32 $0xFFFF8000  }
0x14: {  	[tilespmem:s2], [sflag:$0x2] =	stream.linear.gather [hbm4b:s4+s2], $0x100, $0x38;
	[tilespmem:$0x8100] =	vst v63  }
0x15: {  	_ =	swait.ge [sflag:s3], $0x100  }
0x16: {  	[sflag:s3] =	ssyncset.done $0x0  }
0x17: {  	[sflag:s3] =	ssyncadd.s32 $0xFFFFFF00  }
0x18: {  	[tilespmem:s6], [sflag:$0x1] =	stream.indirect.gather [hbm4b:s5+s6], $0x80, s2, s6, $0xb8;
	[tilespmem:$0x8100] =	vst v63  }
0x19: {  	_ =	swait.ge [sflag:s7], $0x8000  }
.Ltmp1:
0x1a: {  	[sflag:s7] =	ssyncset.done $0x0;
	(pc) =	sbr.rel @p0 .LBB2_1-.Ltmp1, $4  }
0x1b: {  	[sflag:s7] =	ssyncadd.s32 $0xFFFF8000  }
0x1c: {  	[hbm4b:s8+s2] =	stream.linear.scatter [tilespmem:s6], [sflag:$0x2], $0x8000, $0x38;
	[tilespmem:$0x8100] =	vst v63  }
0x1d: {  	_ =	swait.ge [sflag:s3], $0x8000  }
0x1e: {  	[sflag:s3] =	ssyncset.done $0x0  }
.LBB2_2:
0x1f: {  	[sflag:s3] =	ssyncadd.s32 $0xFFFF8000  }
0x20: {  	_ =	sfence.sel $0x180000  }
0x21: {  	[bflag:$0x0] =	sbarrier.arrive $0xFFFF  }
0x22: {  	p0 =	sne.s32 s0, $0x0;
	_ =	strace $0x90000047  }
0x23: {  	s0 =	sadd.s32 @!p0 $0x100000, s1;
	[bflag:$0x2] =	sbarrier.arrive $0xFFFF  }
0x24: {  	[sflag:s0] =	ssyncadd.tile.s32 @!p0 $0x1;
	_ =	shalt  }
.Lfunc_end2:
_tile_overlayer_lowered:
.L_overlay_start_2:
0x25: {  	(tag) =	ssettag $0x2  }
0x26: {  	s0 =	rddreg [dreg:$0x0];
	s2 =	stileid.u32  }
0x27: {  	s1 =	rddreg [dreg:$0x1];
	p0 =	sne.s32 s2, $0x0  }
0x28: {  	s3 =	rddreg [dreg:$0x2];
	[bflag:$0x3] =	sbarrier.arrive $0xFFFF;
	s2 =	simm.s32 @!p0 $0x1C02  }
0x29: {  	[timem:s3], [sflag:s2] =	dma.local @!p0 [hbm:s0], s1  }
0x2a: {  	s0 =	simm.s32 @!p0 $0x2  }
0x2b: {  	_ =	swait.ge @!p0 [sflag:s0], s1  }
0x2c: {  	s1 =	ssub.s32 @!p0 $0x0, s1;
	[sflag:s0] =	ssyncset.done @!p0 $0x0  }
0x2d: {  	[sflag:s0] =	ssyncadd.s32 @!p0 s1  }
0x2e: {  	[bflag:$0x3] =	sbarrier.arrive $0xFFFF  }
0x2f: {  	_ =	shalt  }

</sc_bundles>
